<compile_context>
chip_gen: v7x
topology: tpu7x:2x2x1
jax: 0.10.2.dev20260603
libtpu: 0.0.44.dev20260713+nightly
codegen_flags: <defaults>
</compile_context>

<pallas_src>
import functools

import jax
import jax.numpy as jnp
import numpy as np
from jax import lax
from jax.experimental import pallas as pl
from jax.experimental.pallas import tpu as pltpu
from jax.experimental.pallas import tpu_sc as plsc

B = 4096
OBS = 64
K = 8192
KTILE = 1024
KT = K // KTILE
POST_H = 256
ACT_DIM = 16
HALF_LOG_2PI = 0.5 * float(np.log(2.0 * np.pi))


def _main_body(X_ref, dX_ref, A_ref, ew1, eb1, ew2, eb2, pw, pb, cbf_ref,
               aw1_ref, ab1, aw2, ab2, aw3, ab3, ls_ref,
               eo_out, prop_out, losspi_out,
               eo_s, eo2_s, f_s, c_s, rv_s, ri_s, M_s, vrow_s):
    j = pl.program_id(0)

    @pl.when(j == 0)
    def _init():
        h1 = jnp.tanh(jnp.dot(dX_ref[...], ew1[...]) + eb1[...][None, :])
        enc = jnp.tanh(jnp.dot(h1, ew2[...]) + eb2[...][None, :])
        eo = jnp.dot(enc, pw[...]) + pb[...][None, :]
        eo_s[...] = eo
        eo2_s[...] = eo + eo
        f_s[...] = jnp.sum(eo * eo, axis=1, keepdims=True)
        cb3 = cbf_ref[...].reshape(KT, KTILE, OBS)
        c_s[...] = jnp.sum(cb3 * cb3, axis=2)
        rv_s[...] = jnp.full((B, 128), jnp.inf, jnp.float32)
        ri_s[...] = jnp.zeros((B, 128), jnp.float32)
        M_s[...] = jnp.zeros((OBS, OBS), jnp.float32)
        vrow_s[...] = jnp.zeros((2, OBS), jnp.float32)

    cb = cbf_ref[pl.ds(j * KTILE, KTILE), :]
    w2 = aw1_ref[pl.ds(OBS + j * KTILE, KTILE), :]
    c = c_s[pl.ds(j, 1), :]
    dot2 = lax.dot_general(eo2_s[...], cb, (((1,), (1,)), ((), ())))
    dist = (f_s[...] + c) - dot2
    lane = lax.broadcasted_iota(jnp.int32, (1, 128), 1).astype(jnp.float32)
    rv = rv_s[...]
    ri = ri_s[...]
    for g in range(KTILE // 128):
        dg = dist[:, g * 128:(g + 1) * 128]
        kg = (j * KTILE + g * 128) + lane
        better = dg < rv
        rv = jnp.where(better, dg, rv)
        ri = jnp.where(better, kg, ri)
    rv_s[...] = rv
    ri_s[...] = ri
    M_s[...] += lax.dot_general(cb, w2, (((0,), (0,)), ((), ())))
    vrow_s[0:1, :] += lax.dot_general(c, w2, (((1,), (0,)), ((), ())))
    vrow_s[1:2, :] += jnp.sum(w2, axis=0, keepdims=True)

    @pl.when(j == KT - 1)
    def _final():
        rvf = rv_s[...]
        rif = ri_s[...]
        m = jnp.min(rvf, axis=1, keepdims=True)
        prop_out[...] = jnp.min(jnp.where(rvf == m, rif, jnp.float32(K)),
                                axis=1, keepdims=True).astype(jnp.int32)
        eo2 = eo_s[...]
        d2 = f_s[...] * vrow_s[1:2, :] + vrow_s[0:1, :] \
            - 2.0 * jnp.dot(eo2, M_s[...])
        h = jnp.dot(X_ref[...], aw1_ref[pl.ds(0, OBS), :]) \
            + d2 + ab1[...][None, :]
        a1 = jnp.tanh(h)
        a2 = jnp.tanh(jnp.dot(a1, aw2[...]) + ab2[...][None, :])
        mu = jnp.dot(a2, aw3[...]) + ab3[...][None, :]
        ls = ls_ref[...][None, :]
        std = jnp.exp(ls)
        z = (A_ref[...] - mu) / std
        logp = -0.5 * z * z - ls - HALF_LOG_2PI
        losspi_out[...] = jnp.sum(1.0 / (jnp.exp(logp) + 0.1), axis=1,
                                  keepdims=True)
        eo_out[...] = eo2


def _run_main(X, dX, A, ew1, eb1, ew2, eb2, pw, pb, codebook,
              aw1, ab1, aw2, ab2, aw3, ab3, ls):
    full = lambda s: pl.BlockSpec(s, lambda j: tuple(0 for _ in s))
    return pl.pallas_call(
        _main_body,
        grid=(KT,),
        in_specs=[
            full((B, OBS)), full((B, OBS)), full((B, ACT_DIM)),
            full((OBS, OBS // 2)), full((OBS // 2,)),
            full((OBS // 2, OBS)), full((OBS,)),
            full((OBS, OBS)), full((OBS,)),
            full((K, OBS)), full((OBS + K, OBS)),
            full((OBS,)),
            full((OBS, OBS)), full((OBS,)),
            full((OBS, ACT_DIM)), full((ACT_DIM,)),
            full((ACT_DIM,)),
        ],
        out_specs=[full((B, OBS)), full((B, 1)), full((B, 1))],
        out_shape=[
            jax.ShapeDtypeStruct((B, OBS), jnp.float32),
            jax.ShapeDtypeStruct((B, 1), jnp.int32),
            jax.ShapeDtypeStruct((B, 1), jnp.float32),
        ],
        scratch_shapes=[
            pltpu.VMEM((B, OBS), jnp.float32),
            pltpu.VMEM((B, OBS), jnp.float32),
            pltpu.VMEM((B, 1), jnp.float32),
            pltpu.VMEM((KT, KTILE), jnp.float32),
            pltpu.VMEM((B, 128), jnp.float32),
            pltpu.VMEM((B, 128), jnp.float32),
            pltpu.VMEM((OBS, OBS), jnp.float32),
            pltpu.VMEM((2, OBS), jnp.float32),
        ],
    )(X, dX, A, ew1, eb1, ew2, eb2, pw, pb, codebook,
      aw1, ab1, aw2, ab2, aw3, ab3, ls)


def _sc_gather(table, idx):
    info = plsc.get_sparse_core_info()
    nw = info.num_cores * info.num_subcores
    b_per_w = B // nw
    mesh = plsc.VectorSubcoreMesh(core_axis_name="c", subcore_axis_name="s")

    half = b_per_w // 2

    @functools.partial(
        pl.kernel, mesh=mesh,
        compiler_params=pltpu.CompilerParams(use_tc_tiling_on_sc=False),
        out_type=jax.ShapeDtypeStruct((B, OBS), jnp.float32),
        scratch_types=[
            pltpu.VMEM((half,), jnp.int32),
            pltpu.VMEM((half,), jnp.int32),
            pltpu.VMEM((half, OBS), jnp.float32),
            pltpu.VMEM((half, OBS), jnp.float32),
            pltpu.SemaphoreType.DMA,
            pltpu.SemaphoreType.DMA,
            pltpu.SemaphoreType.DMA,
            pltpu.SemaphoreType.DMA,
        ],
    )
    def gather_kernel(table_hbm, idx_hbm, out_hbm, idx0_v, idx1_v,
                      rows0_v, rows1_v, s0, s1, s2, s3):
        wid = lax.axis_index("s") * info.num_cores + lax.axis_index("c")
        base = wid * b_per_w
        pltpu.sync_copy(idx_hbm.at[pl.ds(base, half)], idx0_v)
        a0 = pltpu.async_copy(table_hbm.at[idx0_v], rows0_v, s0)
        pltpu.sync_copy(idx_hbm.at[pl.ds(base + half, half)], idx1_v)
        a1 = pltpu.async_copy(table_hbm.at[idx1_v], rows1_v, s1)
        a0.wait()
        b0 = pltpu.async_copy(rows0_v, out_hbm.at[pl.ds(base, half)], s2)
        a1.wait()
        b1 = pltpu.async_copy(rows1_v, out_hbm.at[pl.ds(base + half, half)], s3)
        b0.wait()
        b1.wait()

    return gather_kernel(table, idx)


def _tail_body(dX_ref, eo_ref, q_ref, losspi_ref, pw, pb, dw1, db1, dw2, db2,
               beta_ref, loss_out, total_out):
    q = q_ref[...]
    post_q = jnp.dot(q, pw[...]) + pb[...][None, :]
    d1 = jnp.tanh(jnp.dot(jnp.tanh(post_q), dw1[...]) + db1[...][None, :])
    recon = jnp.dot(d1, dw2[...]) + db2[...][None, :]
    r = dX_ref[...] - recon
    recon_loss = jnp.sum(r * r) * (1.0 / (B * OBS))
    e = eo_ref[...] - q
    vq = jnp.sum(e * e) * (1.0 / (B * OBS))
    total = recon_loss + vq + beta_ref[0] * vq
    total_out[...] = jnp.full((1, 1), total, jnp.float32)
    loss_out[...] = losspi_ref[...] * total


def _run_tail(dX, eo, q, losspi, pw, pb, dw1, db1, dw2, db2, beta):
    return pl.pallas_call(
        _tail_body,
        out_shape=[
            jax.ShapeDtypeStruct((B, 1), jnp.float32),
            jax.ShapeDtypeStruct((1, 1), jnp.float32),
        ],
    )(dX, eo, q, losspi, pw, pb, dw1, db1, dw2, db2, beta)


def kernel(X, Delta_X, A, enc_w1, enc_b1, enc_w2, enc_b2, pre_w, pre_b,
           codebook, post_w, post_b, dec_w1, dec_b1, dec_w2, dec_b2,
           act_w1, act_b1, act_w2, act_b2, act_w3, act_b3, log_std,
           kl_beta=1.0):
    eo, prop2d, losspi2d = _run_main(
        X, Delta_X, A, enc_w1, enc_b1, enc_w2, enc_b2,
        pre_w, pre_b, codebook, act_w1,
        act_b1, act_w2, act_b2, act_w3, act_b3, log_std)
    proposal = prop2d.reshape(B)
    q = _sc_gather(codebook, proposal)
    beta = jnp.asarray(kl_beta, jnp.float32).reshape(1)
    loss2d, total2d = _run_tail(Delta_X, eo, q, losspi2d, post_w, post_b,
                                dec_w1, dec_b1, dec_w2, dec_b2, beta)
    return (loss2d.reshape(B), losspi2d.reshape(B), X, proposal,
            total2d.reshape(()))

# --- scband reference (transcript-rebuilt; emitter-appended) ---
"""Pipeline reference for scband-memo-15204184227858 (READ-ONLY COPY).

The authoritative reference and input builder live on the scoring server;
editing this copy changes nothing except your own understanding.
"""

import jax, jax.numpy as jnp
import numpy as np


def setup_inputs(seed: int = 0):
    key = jax.random.key(seed)
    ks = jax.random.split(key, 24)
    B = 4096; obs = 64; act_dim = 16; K = 8192; post_h = 256
    def W(k, fan_in, shape):
        s = 1.0 / np.sqrt(fan_in)
        return jax.random.uniform(k, shape, minval=-s, maxval=s, dtype=jnp.float32)
    inp = {}
    inp["X"] = jax.random.normal(ks[0], (B, obs), dtype=jnp.float32)
    inp["Delta_X"] = jax.random.normal(ks[1], (B, obs), dtype=jnp.float32)
    inp["A"] = jax.random.normal(ks[2], (B, act_dim), dtype=jnp.float32)
    inp["enc_w1"] = W(ks[3], obs, (obs, obs // 2)); inp["enc_b1"] = W(ks[4], obs, (obs // 2,))
    inp["enc_w2"] = W(ks[5], obs // 2, (obs // 2, obs)); inp["enc_b2"] = W(ks[6], obs // 2, (obs,))
    inp["pre_w"] = W(ks[7], obs, (obs, obs)); inp["pre_b"] = W(ks[8], obs, (obs,))
    inp["codebook"] = jax.random.uniform(ks[9], (K, obs), minval=-1.0 / K, maxval=1.0 / K, dtype=jnp.float32)
    inp["post_w"] = W(ks[10], obs, (obs, post_h)); inp["post_b"] = W(ks[11], obs, (post_h,))
    inp["dec_w1"] = W(ks[12], post_h, (post_h, post_h)); inp["dec_b1"] = W(ks[13], post_h, (post_h,))
    inp["dec_w2"] = W(ks[14], post_h, (post_h, obs)); inp["dec_b2"] = W(ks[15], post_h, (obs,))
    a_in = obs + K
    inp["act_w1"] = W(ks[16], a_in, (a_in, 64)); inp["act_b1"] = W(ks[17], a_in, (64,))
    inp["act_w2"] = W(ks[18], 64, (64, 64)); inp["act_b2"] = W(ks[19], 64, (64,))
    inp["act_w3"] = W(ks[20], 64, (64, act_dim)); inp["act_b3"] = W(ks[21], 64, (act_dim,))
    inp["log_std"] = jnp.full((act_dim,), -0.5, dtype=jnp.float32)
    inp["kl_beta"] = jnp.float32(1.0)
    return inp


def reference(X, Delta_X, A, enc_w1, enc_b1, enc_w2, enc_b2, pre_w, pre_b, codebook, post_w, post_b, dec_w1, dec_b1, dec_w2, dec_b2, act_w1, act_b1, act_w2, act_b2, act_w3, act_b3, log_std, kl_beta=1.0):
    # VQEncoder: Linear(obs, obs//2) -> tanh -> Linear(obs//2, obs) -> tanh
    enc = jnp.tanh(jnp.tanh(Delta_X @ enc_w1 + enc_b1) @ enc_w2 + enc_b2)
    # prenet
    encoder_output = enc @ pre_w + pre_b
    # VectorQuantizer.proposal_distribution
    flat = encoder_output
    dist = jnp.sum(flat ** 2, axis=1, keepdims=True) + jnp.sum(codebook ** 2, axis=1) - 2.0 * flat @ codebook.T
    proposal = jnp.argmin(dist, axis=-1)
    quantized = jnp.take(codebook, proposal, axis=0)
    # straight-through
    st_q = encoder_output + jax.lax.stop_gradient(quantized - encoder_output)
    post_q = st_q @ post_w + post_b
    # VQDecoder: tanh first, then mlp([post_h, post_h, obs], Tanh)
    d1 = jnp.tanh(jnp.tanh(post_q) @ dec_w1 + dec_b1)
    reconstruction = d1 @ dec_w2 + dec_b2
    # actor on concat([state, distances])
    concat = jnp.concatenate([X, dist], axis=-1)
    mu = jnp.tanh(jnp.tanh(concat @ act_w1 + act_b1) @ act_w2 + act_b2) @ act_w3 + act_b3
    std = jnp.exp(log_std)
    # VQCriterion
    recon_loss = jnp.mean((Delta_X - reconstruction) ** 2)
    vq_loss = jnp.mean((jax.lax.stop_gradient(encoder_output) - quantized) ** 2)
    commit = jnp.mean((encoder_output - jax.lax.stop_gradient(quantized)) ** 2)
    total = recon_loss + vq_loss + kl_beta * commit
    # Normal log_prob
    logp = -0.5 * ((A - mu) / std) ** 2 - log_std - 0.5 * jnp.log(2.0 * jnp.pi)
    loss_pi = jnp.sum(1.0 / (jnp.exp(logp) + 0.1), axis=-1)
    loss = loss_pi * total
    return (loss, loss_pi, X, proposal, total)

if __name__ == "__main__":
    import jax
    _d = setup_inputs()
    print(jax.jit(kernel)(*tuple(_d.values())))

</pallas_src>

<mosaic_0001>
#map = affine_map<(d0, d1) -> (0, 0)>
#map1 = affine_map<(d0, d1) -> (0)>
module attributes {stable_mosaic.version = 14 : i64} {
  func.func @gather_kernel(%arg0: i32, %arg1: i32, %arg2: memref<8192x64xf32, #tpu.memory_space<hbm>>, %arg3: memref<4096xi32, #tpu.memory_space<hbm>>, %arg4: memref<4096x64xf32, #tpu.memory_space<hbm>>, %arg5: memref<64xi32, #tpu.memory_space<vmem>>, %arg6: memref<64xi32, #tpu.memory_space<vmem>>, %arg7: memref<64x64xf32, #tpu.memory_space<vmem>>, %arg8: memref<64x64xf32, #tpu.memory_space<vmem>>, %arg9: memref<!tpu.dma_semaphore, #tpu.memory_space<semaphore_mem>>, %arg10: memref<!tpu.dma_semaphore, #tpu.memory_space<semaphore_mem>>, %arg11: memref<!tpu.dma_semaphore, #tpu.memory_space<semaphore_mem>>, %arg12: memref<!tpu.dma_semaphore, #tpu.memory_space<semaphore_mem>>) attributes {dimension_semantics = [#tpu.dimension_semantics<core_parallel>, #tpu.dimension_semantics<subcore_parallel>], iteration_bounds = array<i64: 2, 16>, scalar_prefetch = 0 : i64, scratch_operands = 8 : i64, tpu.core_type = #tpu.core_type<sc_vector_subcore>, window_params = [{transform_indices = #map}, {transform_indices = #map1}, {transform_indices = #map}]} {
    %mul3A = arith.constant 2 : i32
    %mul3A_0 = arith.muli %arg1, %mul3A : i32
    %add3A = arith.addi %mul3A_0, %arg0 : i32
    %mul3A_1 = arith.constant 128 : i32
    %mul3A_2 = arith.muli %add3A, %mul3A_1 : i32
    "tpu.region"() ({
      %run_scoped3A = tpu.sem_alloc : memref<!tpu.dma_semaphore, #tpu.memory_space<semaphore_mem>>
      %dma_start3A_33 = tpu.memref_slice %arg3[%mul3A_2] : memref<4096xi32, #tpu.memory_space<hbm>> -> memref<64xi32, #tpu.memory_space<hbm>>
      %dma_start3A_34 = tpu.memref_slice %arg3[%mul3A_2] : memref<4096xi32, #tpu.memory_space<hbm>> -> memref<64xi32, #tpu.memory_space<hbm>>
      tpu.enqueue_dma source(%dma_start3A_34 : memref<64xi32, #tpu.memory_space<hbm>>) target(%arg5 : memref<64xi32, #tpu.memory_space<vmem>>) target_semaphore(%run_scoped3A : memref<!tpu.dma_semaphore, #tpu.memory_space<semaphore_mem>>)
      %dma_wait3A_35 = tpu.memref_slice %arg3[%mul3A_2] : memref<4096xi32, #tpu.memory_space<hbm>> -> memref<64xi32, #tpu.memory_space<hbm>>
      %dma_wait3A_36 = tpu.memref_slice %arg3[%mul3A_2] : memref<4096xi32, #tpu.memory_space<hbm>> -> memref<64xi32, #tpu.memory_space<hbm>>
      tpu.wait_dma2 semaphore(%run_scoped3A : memref<!tpu.dma_semaphore, #tpu.memory_space<semaphore_mem>>) src(%dma_wait3A_36 : memref<64xi32, #tpu.memory_space<hbm>>) dst(%arg5 : memref<64xi32, #tpu.memory_space<vmem>>)
      tpu.yield
    }) : () -> ()
    %dma_start3A = arith.constant 0 : i32
    %dma_start3A_3 = arith.constant 0 : i32
    %dma_start3A_4 = tpu.memref_slice %arg2[%dma_start3A, %dma_start3A_3] : memref<8192x64xf32, #tpu.memory_space<hbm>> -> memref<8192x64xf32, #tpu.memory_space<hbm>>
    tpu.enqueue_indirect_dma source(%dma_start3A_4 : memref<8192x64xf32, #tpu.memory_space<hbm>>) target(%arg7 : memref<64x64xf32, #tpu.memory_space<vmem>>) offsets(%arg5 : memref<64xi32, #tpu.memory_space<vmem>>) semaphore(%arg9 : memref<!tpu.dma_semaphore, #tpu.memory_space<semaphore_mem>>)
    %add3A_5 = arith.constant 64 : i32
    %add3A_6 = arith.addi %mul3A_2, %add3A_5 : i32
    "tpu.region"() ({
      %run_scoped3A = tpu.sem_alloc : memref<!tpu.dma_semaphore, #tpu.memory_space<semaphore_mem>>
      %dma_start3A_33 = tpu.memref_slice %arg3[%add3A_6] : memref<4096xi32, #tpu.memory_space<hbm>> -> memref<64xi32, #tpu.memory_space<hbm>>
      %dma_start3A_34 = tpu.memref_slice %arg3[%add3A_6] : memref<4096xi32, #tpu.memory_space<hbm>> -> memref<64xi32, #tpu.memory_space<hbm>>
      tpu.enqueue_dma source(%dma_start3A_34 : memref<64xi32, #tpu.memory_space<hbm>>) target(%arg6 : memref<64xi32, #tpu.memory_space<vmem>>) target_semaphore(%run_scoped3A : memref<!tpu.dma_semaphore, #tpu.memory_space<semaphore_mem>>)
      %dma_wait3A_35 = tpu.memref_slice %arg3[%add3A_6] : memref<4096xi32, #tpu.memory_space<hbm>> -> memref<64xi32, #tpu.memory_space<hbm>>
      %dma_wait3A_36 = tpu.memref_slice %arg3[%add3A_6] : memref<4096xi32, #tpu.memory_space<hbm>> -> memref<64xi32, #tpu.memory_space<hbm>>
      tpu.wait_dma2 semaphore(%run_scoped3A : memref<!tpu.dma_semaphore, #tpu.memory_space<semaphore_mem>>) src(%dma_wait3A_36 : memref<64xi32, #tpu.memory_space<hbm>>) dst(%arg6 : memref<64xi32, #tpu.memory_space<vmem>>)
      tpu.yield
    }) : () -> ()
    %dma_start3A_7 = arith.constant 0 : i32
    %dma_start3A_8 = arith.constant 0 : i32
    %dma_start3A_9 = tpu.memref_slice %arg2[%dma_start3A_7, %dma_start3A_8] : memref<8192x64xf32, #tpu.memory_space<hbm>> -> memref<8192x64xf32, #tpu.memory_space<hbm>>
    tpu.enqueue_indirect_dma source(%dma_start3A_9 : memref<8192x64xf32, #tpu.memory_space<hbm>>) target(%arg8 : memref<64x64xf32, #tpu.memory_space<vmem>>) offsets(%arg6 : memref<64xi32, #tpu.memory_space<vmem>>) semaphore(%arg10 : memref<!tpu.dma_semaphore, #tpu.memory_space<semaphore_mem>>)
    %dma_wait3A = arith.constant 0 : i32
    %dma_wait3A_10 = arith.constant 0 : i32
    %dma_wait3A_11 = tpu.memref_slice %arg2[%dma_wait3A, %dma_wait3A_10] : memref<8192x64xf32, #tpu.memory_space<hbm>> -> memref<8192x64xf32, #tpu.memory_space<hbm>>
    tpu.wait_indirect_dma semaphore(%arg9 : memref<!tpu.dma_semaphore, #tpu.memory_space<semaphore_mem>>) src(%dma_wait3A_11 : memref<8192x64xf32, #tpu.memory_space<hbm>>) dst(%arg7 : memref<64x64xf32, #tpu.memory_space<vmem>>)
    %dma_start3A_12 = arith.constant 0 : i32
    %dma_start3A_13 = tpu.memref_slice %arg4[%mul3A_2, %dma_start3A_12] : memref<4096x64xf32, #tpu.memory_space<hbm>> -> memref<64x64xf32, #tpu.memory_space<hbm>>
    %dma_start3A_14 = arith.constant 0 : i32
    %dma_start3A_15 = tpu.memref_slice %arg4[%mul3A_2, %dma_start3A_14] : memref<4096x64xf32, #tpu.memory_space<hbm>> -> memref<64x64xf32, #tpu.memory_space<hbm>>
    tpu.enqueue_dma source(%arg7 : memref<64x64xf32, #tpu.memory_space<vmem>>) target(%dma_start3A_15 : memref<64x64xf32, #tpu.memory_space<hbm>>) target_semaphore(%arg11 : memref<!tpu.dma_semaphore, #tpu.memory_space<semaphore_mem>>)
    %dma_wait3A_16 = arith.constant 0 : i32
    %dma_wait3A_17 = arith.constant 0 : i32
    %dma_wait3A_18 = tpu.memref_slice %arg2[%dma_wait3A_16, %dma_wait3A_17] : memref<8192x64xf32, #tpu.memory_space<hbm>> -> memref<8192x64xf32, #tpu.memory_space<hbm>>
    tpu.wait_indirect_dma semaphore(%arg10 : memref<!tpu.dma_semaphore, #tpu.memory_space<semaphore_mem>>) src(%dma_wait3A_18 : memref<8192x64xf32, #tpu.memory_space<hbm>>) dst(%arg8 : memref<64x64xf32, #tpu.memory_space<vmem>>)
    %add3A_19 = arith.constant 64 : i32
    %add3A_20 = arith.addi %mul3A_2, %add3A_19 : i32
    %dma_start3A_21 = arith.constant 0 : i32
    %dma_start3A_22 = tpu.memref_slice %arg4[%add3A_20, %dma_start3A_21] : memref<4096x64xf32, #tpu.memory_space<hbm>> -> memref<64x64xf32, #tpu.memory_space<hbm>>
    %dma_start3A_23 = arith.constant 0 : i32
    %dma_start3A_24 = tpu.memref_slice %arg4[%add3A_20, %dma_start3A_23] : memref<4096x64xf32, #tpu.memory_space<hbm>> -> memref<64x64xf32, #tpu.memory_space<hbm>>
    tpu.enqueue_dma source(%arg8 : memref<64x64xf32, #tpu.memory_space<vmem>>) target(%dma_start3A_24 : memref<64x64xf32, #tpu.memory_space<hbm>>) target_semaphore(%arg12 : memref<!tpu.dma_semaphore, #tpu.memory_space<semaphore_mem>>)
    %dma_wait3A_25 = arith.constant 0 : i32
    %dma_wait3A_26 = tpu.memref_slice %arg4[%mul3A_2, %dma_wait3A_25] : memref<4096x64xf32, #tpu.memory_space<hbm>> -> memref<64x64xf32, #tpu.memory_space<hbm>>
    %dma_wait3A_27 = arith.constant 0 : i32
    %dma_wait3A_28 = tpu.memref_slice %arg4[%mul3A_2, %dma_wait3A_27] : memref<4096x64xf32, #tpu.memory_space<hbm>> -> memref<64x64xf32, #tpu.memory_space<hbm>>
    tpu.wait_dma2 semaphore(%arg11 : memref<!tpu.dma_semaphore, #tpu.memory_space<semaphore_mem>>) src(%arg7 : memref<64x64xf32, #tpu.memory_space<vmem>>) dst(%dma_wait3A_28 : memref<64x64xf32, #tpu.memory_space<hbm>>)
    %dma_wait3A_29 = arith.constant 0 : i32
    %dma_wait3A_30 = tpu.memref_slice %arg4[%add3A_20, %dma_wait3A_29] : memref<4096x64xf32, #tpu.memory_space<hbm>> -> memref<64x64xf32, #tpu.memory_space<hbm>>
    %dma_wait3A_31 = arith.constant 0 : i32
    %dma_wait3A_32 = tpu.memref_slice %arg4[%add3A_20, %dma_wait3A_31] : memref<4096x64xf32, #tpu.memory_space<hbm>> -> memref<64x64xf32, #tpu.memory_space<hbm>>
    tpu.wait_dma2 semaphore(%arg12 : memref<!tpu.dma_semaphore, #tpu.memory_space<semaphore_mem>>) src(%arg8 : memref<64x64xf32, #tpu.memory_space<vmem>>) dst(%dma_wait3A_32 : memref<64x64xf32, #tpu.memory_space<hbm>>)
    return
  }
}

module attributes {stable_mosaic.version = 14 : i64} {
  func.func @_main_body(%arg0: i32, %arg1: memref<4096x64xf32, #tpu.memory_space<vmem>>, %arg2: memref<4096x64xf32, #tpu.memory_space<vmem>>, %arg3: memref<4096x16xf32, #tpu.memory_space<vmem>>, %arg4: memref<64x32xf32, #tpu.memory_space<vmem>>, %arg5: memref<32xf32, #tpu.memory_space<vmem>>, %arg6: memref<32x64xf32, #tpu.memory_space<vmem>>, %arg7: memref<64xf32, #tpu.memory_space<vmem>>, %arg8: memref<64x64xf32, #tpu.memory_space<vmem>>, %arg9: memref<64xf32, #tpu.memory_space<vmem>>, %arg10: memref<8192x64xf32, #tpu.memory_space<vmem>>, %arg11: memref<8256x64xf32, #tpu.memory_space<vmem>>, %arg12: memref<64xf32, #tpu.memory_space<vmem>>, %arg13: memref<64x64xf32, #tpu.memory_space<vmem>>, %arg14: memref<64xf32, #tpu.memory_space<vmem>>, %arg15: memref<64x16xf32, #tpu.memory_space<vmem>>, %arg16: memref<16xf32, #tpu.memory_space<vmem>>, %arg17: memref<16xf32, #tpu.memory_space<vmem>>, %arg18: memref<4096x64xf32, #tpu.memory_space<vmem>>, %arg19: memref<4096x1xi32, #tpu.memory_space<vmem>>, %arg20: memref<4096x1xf32, #tpu.memory_space<vmem>>, %arg21: memref<4096x64xf32, #tpu.memory_space<vmem>>, %arg22: memref<4096x64xf32, #tpu.memory_space<vmem>>, %arg23: memref<4096x1xf32, #tpu.memory_space<vmem>>, %arg24: memref<8x1024xf32, #tpu.memory_space<vmem>>, %arg25: memref<4096x128xf32, #tpu.memory_space<vmem>>, %arg26: memref<4096x128xf32, #tpu.memory_space<vmem>>, %arg27: memref<64x64xf32, #tpu.memory_space<vmem>>, %arg28: memref<2x64xf32, #tpu.memory_space<vmem>>) attributes {dimension_semantics = [#tpu.dimension_semantics<arbitrary>], iteration_bounds = array<i64: 8>, scalar_prefetch = 0 : i64, scratch_operands = 8 : i64, tpu.core_type = #tpu.core_type<tc>, window_params = [{pipeline_mode = #tpu.pipeline_mode<synchronous>, transform_indices = @transform_0, window_bounds = array<i64: 4096, 64>}, {pipeline_mode = #tpu.pipeline_mode<synchronous>, transform_indices = @transform_1, window_bounds = array<i64: 4096, 64>}, {pipeline_mode = #tpu.pipeline_mode<synchronous>, transform_indices = @transform_2, window_bounds = array<i64: 4096, 16>}, {pipeline_mode = #tpu.pipeline_mode<synchronous>, transform_indices = @transform_3, window_bounds = array<i64: 64, 32>}, {pipeline_mode = #tpu.pipeline_mode<synchronous>, transform_indices = @transform_4, window_bounds = array<i64: 32>}, {pipeline_mode = #tpu.pipeline_mode<synchronous>, transform_indices = @transform_5, window_bounds = array<i64: 32, 64>}, {pipeline_mode = #tpu.pipeline_mode<synchronous>, transform_indices = @transform_6, window_bounds = array<i64: 64>}, {pipeline_mode = #tpu.pipeline_mode<synchronous>, transform_indices = @transform_7, window_bounds = array<i64: 64, 64>}, {pipeline_mode = #tpu.pipeline_mode<synchronous>, transform_indices = @transform_8, window_bounds = array<i64: 64>}, {pipeline_mode = #tpu.pipeline_mode<synchronous>, transform_indices = @transform_9, window_bounds = array<i64: 8192, 64>}, {pipeline_mode = #tpu.pipeline_mode<synchronous>, transform_indices = @transform_10, window_bounds = array<i64: 8256, 64>}, {pipeline_mode = #tpu.pipeline_mode<synchronous>, transform_indices = @transform_11, window_bounds = array<i64: 64>}, {pipeline_mode = #tpu.pipeline_mode<synchronous>, transform_indices = @transform_12, window_bounds = array<i64: 64, 64>}, {pipeline_mode = #tpu.pipeline_mode<synchronous>, transform_indices = @transform_13, window_bounds = array<i64: 64>}, {pipeline_mode = #tpu.pipeline_mode<synchronous>, transform_indices = @transform_14, window_bounds = array<i64: 64, 16>}, {pipeline_mode = #tpu.pipeline_mode<synchronous>, transform_indices = @transform_15, window_bounds = array<i64: 16>}, {pipeline_mode = #tpu.pipeline_mode<synchronous>, transform_indices = @transform_16, window_bounds = array<i64: 16>}, {pipeline_mode = #tpu.pipeline_mode<synchronous>, transform_indices = @transform_17, window_bounds = array<i64: 4096, 64>}, {pipeline_mode = #tpu.pipeline_mode<synchronous>, transform_indices = @transform_18, window_bounds = array<i64: 4096, 1>}, {pipeline_mode = #tpu.pipeline_mode<synchronous>, transform_indices = @transform_19, window_bounds = array<i64: 4096, 1>}]} {
    %eq3A = arith.constant 0 : i32
    %eq3A_0 = arith.cmpi eq, %arg0, %eq3A : i32
    %convert_element_type3A = arith.extui %eq3A_0 : i1 to i32
    %cond3A = arith.constant 0 : i32
    %cond3A_1 = arith.cmpi ne, %convert_element_type3A, %cond3A : i32
    scf.if %cond3A_1 {
      %get3A_168 = arith.constant 0 : index
      %get3A_169 = arith.constant 0 : index
      %get3A_170 = vector.load %arg2[%get3A_168, %get3A_169] : memref<4096x64xf32, #tpu.memory_space<vmem>>, vector<4096x64xf32>
      %get3A_171 = arith.constant 0 : index
      %get3A_172 = arith.constant 0 : index
      %get3A_173 = vector.load %arg4[%get3A_171, %get3A_172] : memref<64x32xf32, #tpu.memory_space<vmem>>, vector<64x32xf32>
      %dot_general3A_174 = arith.constant dense<0.000000e+00> : vector<4096x32xf32>
      %dot_general3A_175 = tpu.matmul %get3A_170, %get3A_173, %dot_general3A_174 {dimension_numbers = #tpu.dot_dimension_numbers<[1], [0], [0], [1], [0, 0, 1, 1], [], []>, transpose_lhs_hint = false} : vector<4096x64xf32>, vector<64x32xf32>, vector<4096x32xf32> -> vector<4096x32xf32>
      %get3A_176 = arith.constant 0 : index
      %get3A_177 = vector.load %arg5[%get3A_176] : memref<32xf32, #tpu.memory_space<vmem>>, vector<32xf32>
      %broadcast_in_dim3A_178 = vector.shape_cast %get3A_177 : vector<32xf32> to vector<1x32xf32>
      %add3A_179 = vector.broadcast %broadcast_in_dim3A_178 : vector<1x32xf32> to vector<4096x32xf32>
      %add3A_180 = arith.addf %dot_general3A_175, %add3A_179 : vector<4096x32xf32>
      %tanh3A = math.tanh %add3A_180 : vector<4096x32xf32>
      %get3A_181 = arith.constant 0 : index
      %get3A_182 = arith.constant 0 : index
      %get3A_183 = vector.load %arg6[%get3A_181, %get3A_182] : memref<32x64xf32, #tpu.memory_space<vmem>>, vector<32x64xf32>
      %dot_general3A_184 = arith.constant dense<0.000000e+00> : vector<4096x64xf32>
      %dot_general3A_185 = tpu.matmul %tanh3A, %get3A_183, %dot_general3A_184 {dimension_numbers = #tpu.dot_dimension_numbers<[1], [0], [0], [1], [0, 0, 1, 1], [], []>, transpose_lhs_hint = false} : vector<4096x32xf32>, vector<32x64xf32>, vector<4096x64xf32> -> vector<4096x64xf32>
      %get3A_186 = arith.constant 0 : index
      %get3A_187 = vector.load %arg7[%get3A_186] : memref<64xf32, #tpu.memory_space<vmem>>, vector<64xf32>
      %broadcast_in_dim3A_188 = vector.shape_cast %get3A_187 : vector<64xf32> to vector<1x64xf32>
      %add3A_189 = vector.broadcast %broadcast_in_dim3A_188 : vector<1x64xf32> to vector<4096x64xf32>
      %add3A_190 = arith.addf %dot_general3A_185, %add3A_189 : vector<4096x64xf32>
      %tanh3A_191 = math.tanh %add3A_190 : vector<4096x64xf32>
      %get3A_192 = arith.constant 0 : index
      %get3A_193 = arith.constant 0 : index
      %get3A_194 = vector.load %arg8[%get3A_192, %get3A_193] : memref<64x64xf32, #tpu.memory_space<vmem>>, vector<64x64xf32>
      %dot_general3A_195 = arith.constant dense<0.000000e+00> : vector<4096x64xf32>
      %dot_general3A_196 = tpu.matmul %tanh3A_191, %get3A_194, %dot_general3A_195 {dimension_numbers = #tpu.dot_dimension_numbers<[1], [0], [0], [1], [0, 0, 1, 1], [], []>, transpose_lhs_hint = false} : vector<4096x64xf32>, vector<64x64xf32>, vector<4096x64xf32> -> vector<4096x64xf32>
      %get3A_197 = arith.constant 0 : index
      %get3A_198 = vector.load %arg9[%get3A_197] : memref<64xf32, #tpu.memory_space<vmem>>, vector<64xf32>
      %broadcast_in_dim3A_199 = vector.shape_cast %get3A_198 : vector<64xf32> to vector<1x64xf32>
      %add3A_200 = vector.broadcast %broadcast_in_dim3A_199 : vector<1x64xf32> to vector<4096x64xf32>
      %add3A_201 = arith.addf %dot_general3A_196, %add3A_200 : vector<4096x64xf32>
      %swap3A_202 = arith.constant 0 : index
      %swap3A_203 = arith.constant 0 : index
      %swap3A_204 = vector.load %arg21[%swap3A_202, %swap3A_203] : memref<4096x64xf32, #tpu.memory_space<vmem>>, vector<4096x64xf32>
      tpu.vector_store %arg21[%swap3A_202, %swap3A_203], %add3A_201 {strides = array<i32>} : memref<4096x64xf32, #tpu.memory_space<vmem>>, vector<4096x64xf32>,
      %add3A_205 = arith.addf %add3A_201, %add3A_201 : vector<4096x64xf32>
      %swap3A_206 = arith.constant 0 : index
      %swap3A_207 = arith.constant 0 : index
      %swap3A_208 = vector.load %arg22[%swap3A_206, %swap3A_207] : memref<4096x64xf32, #tpu.memory_space<vmem>>, vector<4096x64xf32>
      tpu.vector_store %arg22[%swap3A_206, %swap3A_207], %add3A_205 {strides = array<i32>} : memref<4096x64xf32, #tpu.memory_space<vmem>>, vector<4096x64xf32>,
      %mul3A_209 = arith.mulf %add3A_201, %add3A_201 : vector<4096x64xf32>
      %reduce_sum3A_210 = arith.constant dense<0.000000e+00> : vector<4096xf32>
      %reduce_sum3A_211 = vector.multi_reduction <add>, %mul3A_209, %reduce_sum3A_210 [1] : vector<4096x64xf32> to vector<4096xf32>
      %broadcast_in_dim3A_212 = vector.shape_cast %reduce_sum3A_211 : vector<4096xf32> to vector<4096x1xf32>
      %swap3A_213 = arith.constant 0 : index
      %swap3A_214 = arith.constant 0 : index
      %swap3A_215 = vector.load %arg23[%swap3A_213, %swap3A_214] : memref<4096x1xf32, #tpu.memory_space<vmem>>, vector<4096x1xf32>
      tpu.vector_store %arg23[%swap3A_213, %swap3A_214], %broadcast_in_dim3A_212 {strides = array<i32>} : memref<4096x1xf32, #tpu.memory_space<vmem>>, vector<4096x1xf32>,
      %get3A_216 = arith.constant 0 : index
      %get3A_217 = arith.constant 0 : index
      %get3A_218 = vector.load %arg10[%get3A_216, %get3A_217] : memref<8192x64xf32, #tpu.memory_space<vmem>>, vector<8192x64xf32>
      %reshape3A = vector.shape_cast %get3A_218 : vector<8192x64xf32> to vector<8x1024x64xf32>
      %mul3A_219 = arith.mulf %reshape3A, %reshape3A : vector<8x1024x64xf32>
      %reduce_sum3A_220 = arith.constant dense<0.000000e+00> : vector<8x1024xf32>
      %reduce_sum3A_221 = vector.multi_reduction <add>, %mul3A_219, %reduce_sum3A_220 [2] : vector<8x1024x64xf32> to vector<8x1024xf32>
      %swap3A_222 = arith.constant 0 : index
      %swap3A_223 = arith.constant 0 : index
      %swap3A_224 = vector.load %arg24[%swap3A_222, %swap3A_223] : memref<8x1024xf32, #tpu.memory_space<vmem>>, vector<8x1024xf32>
      tpu.vector_store %arg24[%swap3A_222, %swap3A_223], %reduce_sum3A_221 {strides = array<i32>} : memref<8x1024xf32, #tpu.memory_space<vmem>>, vector<8x1024xf32>,
      %broadcast_in_dim3A_225 = arith.constant 0x7F800000 : f32
      %broadcast_in_dim3A_226 = vector.broadcast %broadcast_in_dim3A_225 : f32 to vector<4096x128xf32>
      %swap3A_227 = arith.constant 0 : index
      %swap3A_228 = arith.constant 0 : index
      %swap3A_229 = vector.load %arg25[%swap3A_227, %swap3A_228] : memref<4096x128xf32, #tpu.memory_space<vmem>>, vector<4096x128xf32>
      tpu.vector_store %arg25[%swap3A_227, %swap3A_228], %broadcast_in_dim3A_226 {strides = array<i32>} : memref<4096x128xf32, #tpu.memory_space<vmem>>, vector<4096x128xf32>,
      %broadcast_in_dim3A_230 = arith.constant 0.000000e+00 : f32
      %broadcast_in_dim3A_231 = vector.broadcast %broadcast_in_dim3A_230 : f32 to vector<4096x128xf32>
      %swap3A_232 = arith.constant 0 : index
      %swap3A_233 = arith.constant 0 : index
      %swap3A_234 = vector.load %arg26[%swap3A_232, %swap3A_233] : memref<4096x128xf32, #tpu.memory_space<vmem>>, vector<4096x128xf32>
      tpu.vector_store %arg26[%swap3A_232, %swap3A_233], %broadcast_in_dim3A_231 {strides = array<i32>} : memref<4096x128xf32, #tpu.memory_space<vmem>>, vector<4096x128xf32>,
      %broadcast_in_dim3A_235 = arith.constant 0.000000e+00 : f32
      %broadcast_in_dim3A_236 = vector.broadcast %broadcast_in_dim3A_235 : f32 to vector<64x64xf32>
      %swap3A_237 = arith.constant 0 : index
      %swap3A_238 = arith.constant 0 : index
      %swap3A_239 = vector.load %arg27[%swap3A_237, %swap3A_238] : memref<64x64xf32, #tpu.memory_space<vmem>>, vector<64x64xf32>
      tpu.vector_store %arg27[%swap3A_237, %swap3A_238], %broadcast_in_dim3A_236 {strides = array<i32>} : memref<64x64xf32, #tpu.memory_space<vmem>>, vector<64x64xf32>,
      %broadcast_in_dim3A_240 = arith.constant 0.000000e+00 : f32
      %broadcast_in_dim3A_241 = vector.broadcast %broadcast_in_dim3A_240 : f32 to vector<2x64xf32>
      %swap3A_242 = arith.constant 0 : index
      %swap3A_243 = arith.constant 0 : index
      %swap3A_244 = vector.load %arg28[%swap3A_242, %swap3A_243] : memref<2x64xf32, #tpu.memory_space<vmem>>, vector<2x64xf32>
      tpu.vector_store %arg28[%swap3A_242, %swap3A_243], %broadcast_in_dim3A_241 {strides = array<i32>} : memref<2x64xf32, #tpu.memory_space<vmem>>, vector<2x64xf32>,
    } else {
    }
    %mul3A = arith.constant 1024 : i32
    %mul3A_2 = arith.muli %arg0, %mul3A : i32
    %get3A = arith.index_cast %mul3A_2 : i32 to index
    %get3A_3 = arith.constant 0 : index
    %get3A_4 = vector.load %arg10[%get3A, %get3A_3] : memref<8192x64xf32, #tpu.memory_space<vmem>>, vector<1024x64xf32>
    %mul3A_5 = arith.constant 1024 : i32
    %mul3A_6 = arith.muli %arg0, %mul3A_5 : i32
    %add3A = arith.constant 64 : i32
    %add3A_7 = arith.addi %add3A, %mul3A_6 : i32
    %get3A_8 = arith.index_cast %add3A_7 : i32 to index
    %get3A_9 = arith.constant 0 : index
    %get3A_10 = vector.load %arg11[%get3A_8, %get3A_9] : memref<8256x64xf32, #tpu.memory_space<vmem>>, vector<1024x64xf32>
    %get3A_11 = arith.index_cast %arg0 : i32 to index
    %get3A_12 = arith.constant 0 : index
    %get3A_13 = vector.load %arg24[%get3A_11, %get3A_12] : memref<8x1024xf32, #tpu.memory_space<vmem>>, vector<1x1024xf32>
    %get3A_14 = arith.constant 0 : index
    %get3A_15 = arith.constant 0 : index
    %get3A_16 = vector.load %arg22[%get3A_14, %get3A_15] : memref<4096x64xf32, #tpu.memory_space<vmem>>, vector<4096x64xf32>
    %dot_general3A = arith.constant dense<0.000000e+00> : vector<4096x1024xf32>
    %dot_general3A_17 = tpu.matmul %get3A_16, %get3A_4, %dot_general3A {dimension_numbers = #tpu.dot_dimension_numbers<[1], [1], [0], [0], [0, 0, 1, 0], [], []>, transpose_lhs_hint = false} : vector<4096x64xf32>, vector<1024x64xf32>, vector<4096x1024xf32> -> vector<4096x1024xf32>
    %get3A_18 = arith.constant 0 : index
    %get3A_19 = arith.constant 0 : index
    %get3A_20 = vector.load %arg23[%get3A_18, %get3A_19] : memref<4096x1xf32, #tpu.memory_space<vmem>>, vector<4096x1xf32>
    %add3A_21 = vector.broadcast %get3A_20 : vector<4096x1xf32> to vector<4096x1024xf32>
    %add3A_22 = vector.broadcast %get3A_13 : vector<1x1024xf32> to vector<4096x1024xf32>
    %add3A_23 = arith.addf %add3A_21, %add3A_22 : vector<4096x1024xf32>
    %sub3A = arith.subf %add3A_23, %dot_general3A_17 : vector<4096x1024xf32>
    %iota3A = tpu.iota {dimensions = array<i32: 1>} : vector<1x128xi32>
    %convert_element_type3A_24 = arith.sitofp %iota3A : vector<1x128xi32> to vector<1x128xf32>
    %get3A_25 = arith.constant 0 : index
    %get3A_26 = arith.constant 0 : index
    %get3A_27 = vector.load %arg25[%get3A_25, %get3A_26] : memref<4096x128xf32, #tpu.memory_space<vmem>>, vector<4096x128xf32>
    %get3A_28 = arith.constant 0 : index
    %get3A_29 = arith.constant 0 : index
    %get3A_30 = vector.load %arg26[%get3A_28, %get3A_29] : memref<4096x128xf32, #tpu.memory_space<vmem>>, vector<4096x128xf32>
    %slice3A = vector.extract_strided_slice %sub3A {offsets = [0, 0], sizes = [4096, 128], strides = [1, 1]} : vector<4096x1024xf32> to vector<4096x128xf32>
    %mul3A_31 = arith.constant 1024 : i32
    %mul3A_32 = arith.muli %arg0, %mul3A_31 : i32
    %add3A_33 = arith.constant 0 : i32
    %add3A_34 = arith.addi %mul3A_32, %add3A_33 : i32
    %convert_element_type3A_35 = arith.sitofp %add3A_34 : i32 to f32
    %add3A_36 = vector.broadcast %convert_element_type3A_35 : f32 to vector<1x128xf32>
    %add3A_37 = arith.addf %add3A_36, %convert_element_type3A_24 : vector<1x128xf32>
    %lt3A = arith.cmpf olt, %slice3A, %get3A_27 : vector<4096x128xf32>
    %select_n3A = arith.select %lt3A, %slice3A, %get3A_27 : vector<4096x128xi1>, vector<4096x128xf32>
    %broadcast_in_dim3A = vector.shape_cast %add3A_37 : vector<1x128xf32> to vector<1x128xf32>
    %broadcast_in_dim3A_38 = vector.broadcast %broadcast_in_dim3A : vector<1x128xf32> to vector<4096x128xf32>
    %select_n3A_39 = arith.select %lt3A, %broadcast_in_dim3A_38, %get3A_30 : vector<4096x128xi1>, vector<4096x128xf32>
    %slice3A_40 = vector.extract_strided_slice %sub3A {offsets = [0, 128], sizes = [4096, 128], strides = [1, 1]} : vector<4096x1024xf32> to vector<4096x128xf32>
    %mul3A_41 = arith.constant 1024 : i32
    %mul3A_42 = arith.muli %arg0, %mul3A_41 : i32
    %add3A_43 = arith.constant 128 : i32
    %add3A_44 = arith.addi %mul3A_42, %add3A_43 : i32
    %convert_element_type3A_45 = arith.sitofp %add3A_44 : i32 to f32
    %add3A_46 = vector.broadcast %convert_element_type3A_45 : f32 to vector<1x128xf32>
    %add3A_47 = arith.addf %add3A_46, %convert_element_type3A_24 : vector<1x128xf32>
    %lt3A_48 = arith.cmpf olt, %slice3A_40, %select_n3A : vector<4096x128xf32>
    %select_n3A_49 = arith.select %lt3A_48, %slice3A_40, %select_n3A : vector<4096x128xi1>, vector<4096x128xf32>
    %broadcast_in_dim3A_50 = vector.shape_cast %add3A_47 : vector<1x128xf32> to vector<1x128xf32>
    %broadcast_in_dim3A_51 = vector.broadcast %broadcast_in_dim3A_50 : vector<1x128xf32> to vector<4096x128xf32>
    %select_n3A_52 = arith.select %lt3A_48, %broadcast_in_dim3A_51, %select_n3A_39 : vector<4096x128xi1>, vector<4096x128xf32>
    %slice3A_53 = vector.extract_strided_slice %sub3A {offsets = [0, 256], sizes = [4096, 128], strides = [1, 1]} : vector<4096x1024xf32> to vector<4096x128xf32>
    %mul3A_54 = arith.constant 1024 : i32
    %mul3A_55 = arith.muli %arg0, %mul3A_54 : i32
    %add3A_56 = arith.constant 256 : i32
    %add3A_57 = arith.addi %mul3A_55, %add3A_56 : i32
    %convert_element_type3A_58 = arith.sitofp %add3A_57 : i32 to f32
    %add3A_59 = vector.broadcast %convert_element_type3A_58 : f32 to vector<1x128xf32>
    %add3A_60 = arith.addf %add3A_59, %convert_element_type3A_24 : vector<1x128xf32>
    %lt3A_61 = arith.cmpf olt, %slice3A_53, %select_n3A_49 : vector<4096x128xf32>
    %select_n3A_62 = arith.select %lt3A_61, %slice3A_53, %select_n3A_49 : vector<4096x128xi1>, vector<4096x128xf32>
    %broadcast_in_dim3A_63 = vector.shape_cast %add3A_60 : vector<1x128xf32> to vector<1x128xf32>
    %broadcast_in_dim3A_64 = vector.broadcast %broadcast_in_dim3A_63 : vector<1x128xf32> to vector<4096x128xf32>
    %select_n3A_65 = arith.select %lt3A_61, %broadcast_in_dim3A_64, %select_n3A_52 : vector<4096x128xi1>, vector<4096x128xf32>
    %slice3A_66 = vector.extract_strided_slice %sub3A {offsets = [0, 384], sizes = [4096, 128], strides = [1, 1]} : vector<4096x1024xf32> to vector<4096x128xf32>
    %mul3A_67 = arith.constant 1024 : i32
    %mul3A_68 = arith.muli %arg0, %mul3A_67 : i32
    %add3A_69 = arith.constant 384 : i32
    %add3A_70 = arith.addi %mul3A_68, %add3A_69 : i32
    %convert_element_type3A_71 = arith.sitofp %add3A_70 : i32 to f32
    %add3A_72 = vector.broadcast %convert_element_type3A_71 : f32 to vector<1x128xf32>
    %add3A_73 = arith.addf %add3A_72, %convert_element_type3A_24 : vector<1x128xf32>
    %lt3A_74 = arith.cmpf olt, %slice3A_66, %select_n3A_62 : vector<4096x128xf32>
    %select_n3A_75 = arith.select %lt3A_74, %slice3A_66, %select_n3A_62 : vector<4096x128xi1>, vector<4096x128xf32>
    %broadcast_in_dim3A_76 = vector.shape_cast %add3A_73 : vector<1x128xf32> to vector<1x128xf32>
    %broadcast_in_dim3A_77 = vector.broadcast %broadcast_in_dim3A_76 : vector<1x128xf32> to vector<4096x128xf32>
    %select_n3A_78 = arith.select %lt3A_74, %broadcast_in_dim3A_77, %select_n3A_65 : vector<4096x128xi1>, vector<4096x128xf32>
    %slice3A_79 = vector.extract_strided_slice %sub3A {offsets = [0, 512], sizes = [4096, 128], strides = [1, 1]} : vector<4096x1024xf32> to vector<4096x128xf32>
    %mul3A_80 = arith.constant 1024 : i32
    %mul3A_81 = arith.muli %arg0, %mul3A_80 : i32
    %add3A_82 = arith.constant 512 : i32
    %add3A_83 = arith.addi %mul3A_81, %add3A_82 : i32
    %convert_element_type3A_84 = arith.sitofp %add3A_83 : i32 to f32
    %add3A_85 = vector.broadcast %convert_element_type3A_84 : f32 to vector<1x128xf32>
    %add3A_86 = arith.addf %add3A_85, %convert_element_type3A_24 : vector<1x128xf32>
    %lt3A_87 = arith.cmpf olt, %slice3A_79, %select_n3A_75 : vector<4096x128xf32>
    %select_n3A_88 = arith.select %lt3A_87, %slice3A_79, %select_n3A_75 : vector<4096x128xi1>, vector<4096x128xf32>
    %broadcast_in_dim3A_89 = vector.shape_cast %add3A_86 : vector<1x128xf32> to vector<1x128xf32>
    %broadcast_in_dim3A_90 = vector.broadcast %broadcast_in_dim3A_89 : vector<1x128xf32> to vector<4096x128xf32>
    %select_n3A_91 = arith.select %lt3A_87, %broadcast_in_dim3A_90, %select_n3A_78 : vector<4096x128xi1>, vector<4096x128xf32>
    %slice3A_92 = vector.extract_strided_slice %sub3A {offsets = [0, 640], sizes = [4096, 128], strides = [1, 1]} : vector<4096x1024xf32> to vector<4096x128xf32>
    %mul3A_93 = arith.constant 1024 : i32
    %mul3A_94 = arith.muli %arg0, %mul3A_93 : i32
    %add3A_95 = arith.constant 640 : i32
    %add3A_96 = arith.addi %mul3A_94, %add3A_95 : i32
    %convert_element_type3A_97 = arith.sitofp %add3A_96 : i32 to f32
    %add3A_98 = vector.broadcast %convert_element_type3A_97 : f32 to vector<1x128xf32>
    %add3A_99 = arith.addf %add3A_98, %convert_element_type3A_24 : vector<1x128xf32>
    %lt3A_100 = arith.cmpf olt, %slice3A_92, %select_n3A_88 : vector<4096x128xf32>
    %select_n3A_101 = arith.select %lt3A_100, %slice3A_92, %select_n3A_88 : vector<4096x128xi1>, vector<4096x128xf32>
    %broadcast_in_dim3A_102 = vector.shape_cast %add3A_99 : vector<1x128xf32> to vector<1x128xf32>
    %broadcast_in_dim3A_103 = vector.broadcast %broadcast_in_dim3A_102 : vector<1x128xf32> to vector<4096x128xf32>
    %select_n3A_104 = arith.select %lt3A_100, %broadcast_in_dim3A_103, %select_n3A_91 : vector<4096x128xi1>, vector<4096x128xf32>
    %slice3A_105 = vector.extract_strided_slice %sub3A {offsets = [0, 768], sizes = [4096, 128], strides = [1, 1]} : vector<4096x1024xf32> to vector<4096x128xf32>
    %mul3A_106 = arith.constant 1024 : i32
    %mul3A_107 = arith.muli %arg0, %mul3A_106 : i32
    %add3A_108 = arith.constant 768 : i32
    %add3A_109 = arith.addi %mul3A_107, %add3A_108 : i32
    %convert_element_type3A_110 = arith.sitofp %add3A_109 : i32 to f32
    %add3A_111 = vector.broadcast %convert_element_type3A_110 : f32 to vector<1x128xf32>
    %add3A_112 = arith.addf %add3A_111, %convert_element_type3A_24 : vector<1x128xf32>
    %lt3A_113 = arith.cmpf olt, %slice3A_105, %select_n3A_101 : vector<4096x128xf32>
    %select_n3A_114 = arith.select %lt3A_113, %slice3A_105, %select_n3A_101 : vector<4096x128xi1>, vector<4096x128xf32>
    %broadcast_in_dim3A_115 = vector.shape_cast %add3A_112 : vector<1x128xf32> to vector<1x128xf32>
    %broadcast_in_dim3A_116 = vector.broadcast %broadcast_in_dim3A_115 : vector<1x128xf32> to vector<4096x128xf32>
    %select_n3A_117 = arith.select %lt3A_113, %broadcast_in_dim3A_116, %select_n3A_104 : vector<4096x128xi1>, vector<4096x128xf32>
    %slice3A_118 = vector.extract_strided_slice %sub3A {offsets = [0, 896], sizes = [4096, 128], strides = [1, 1]} : vector<4096x1024xf32> to vector<4096x128xf32>
    %mul3A_119 = arith.constant 1024 : i32
    %mul3A_120 = arith.muli %arg0, %mul3A_119 : i32
    %add3A_121 = arith.constant 896 : i32
    %add3A_122 = arith.addi %mul3A_120, %add3A_121 : i32
    %convert_element_type3A_123 = arith.sitofp %add3A_122 : i32 to f32
    %add3A_124 = vector.broadcast %convert_element_type3A_123 : f32 to vector<1x128xf32>
    %add3A_125 = arith.addf %add3A_124, %convert_element_type3A_24 : vector<1x128xf32>
    %lt3A_126 = arith.cmpf olt, %slice3A_118, %select_n3A_114 : vector<4096x128xf32>
    %select_n3A_127 = arith.select %lt3A_126, %slice3A_118, %select_n3A_114 : vector<4096x128xi1>, vector<4096x128xf32>
    %broadcast_in_dim3A_128 = vector.shape_cast %add3A_125 : vector<1x128xf32> to vector<1x128xf32>
    %broadcast_in_dim3A_129 = vector.broadcast %broadcast_in_dim3A_128 : vector<1x128xf32> to vector<4096x128xf32>
    %select_n3A_130 = arith.select %lt3A_126, %broadcast_in_dim3A_129, %select_n3A_117 : vector<4096x128xi1>, vector<4096x128xf32>
    %swap3A = arith.constant 0 : index
    %swap3A_131 = arith.constant 0 : index
    %swap3A_132 = vector.load %arg25[%swap3A, %swap3A_131] : memref<4096x128xf32, #tpu.memory_space<vmem>>, vector<4096x128xf32>
    tpu.vector_store %arg25[%swap3A, %swap3A_131], %select_n3A_127 {strides = array<i32>} : memref<4096x128xf32, #tpu.memory_space<vmem>>, vector<4096x128xf32>,
    %swap3A_133 = arith.constant 0 : index
    %swap3A_134 = arith.constant 0 : index
    %swap3A_135 = vector.load %arg26[%swap3A_133, %swap3A_134] : memref<4096x128xf32, #tpu.memory_space<vmem>>, vector<4096x128xf32>
    tpu.vector_store %arg26[%swap3A_133, %swap3A_134], %select_n3A_130 {strides = array<i32>} : memref<4096x128xf32, #tpu.memory_space<vmem>>, vector<4096x128xf32>,
    %get3A_136 = arith.constant 0 : index
    %get3A_137 = arith.constant 0 : index
    %get3A_138 = vector.load %arg27[%get3A_136, %get3A_137] : memref<64x64xf32, #tpu.memory_space<vmem>>, vector<64x64xf32>
    %dot_general3A_139 = arith.constant dense<0.000000e+00> : vector<64x64xf32>
    %dot_general3A_140 = tpu.matmul %get3A_4, %get3A_10, %dot_general3A_139 {dimension_numbers = #tpu.dot_dimension_numbers<[0], [0], [1], [1], [0, 1, 1, 1], [], []>, transpose_lhs_hint = false} : vector<1024x64xf32>, vector<1024x64xf32>, vector<64x64xf32> -> vector<64x64xf32>
    %add3A_141 = arith.addf %get3A_138, %dot_general3A_140 : vector<64x64xf32>
    %swap3A_142 = arith.constant 0 : index
    %swap3A_143 = arith.constant 0 : index
    %swap3A_144 = vector.load %arg27[%swap3A_142, %swap3A_143] : memref<64x64xf32, #tpu.memory_space<vmem>>, vector<64x64xf32>
    tpu.vector_store %arg27[%swap3A_142, %swap3A_143], %add3A_141 {strides = array<i32>} : memref<64x64xf32, #tpu.memory_space<vmem>>, vector<64x64xf32>,
    %get3A_145 = arith.constant 0 : index
    %get3A_146 = arith.constant 0 : index
    %get3A_147 = vector.load %arg28[%get3A_145, %get3A_146] : memref<2x64xf32, #tpu.memory_space<vmem>>, vector<1x64xf32>
    %dot_general3A_148 = arith.constant dense<0.000000e+00> : vector<1x64xf32>
    %dot_general3A_149 = tpu.matmul %get3A_13, %get3A_10, %dot_general3A_148 {dimension_numbers = #tpu.dot_dimension_numbers<[1], [0], [0], [1], [0, 0, 1, 1], [], []>, transpose_lhs_hint = false} : vector<1x1024xf32>, vector<1024x64xf32>, vector<1x64xf32> -> vector<1x64xf32>
    %add3A_150 = arith.addf %get3A_147, %dot_general3A_149 : vector<1x64xf32>
    %swap3A_151 = arith.constant 0 : index
    %swap3A_152 = arith.constant 0 : index
    %swap3A_153 = vector.load %arg28[%swap3A_151, %swap3A_152] : memref<2x64xf32, #tpu.memory_space<vmem>>, vector<1x64xf32>
    tpu.vector_store %arg28[%swap3A_151, %swap3A_152], %add3A_150 {strides = array<i32>} : memref<2x64xf32, #tpu.memory_space<vmem>>, vector<1x64xf32>,
    %get3A_154 = arith.constant 1 : index
    %get3A_155 = arith.constant 0 : index
    %get3A_156 = vector.load %arg28[%get3A_154, %get3A_155] : memref<2x64xf32, #tpu.memory_space<vmem>>, vector<1x64xf32>
    %reduce_sum3A = arith.constant dense<0.000000e+00> : vector<64xf32>
    %reduce_sum3A_157 = vector.multi_reduction <add>, %get3A_10, %reduce_sum3A [0] : vector<1024x64xf32> to vector<64xf32>
    %broadcast_in_dim3A_158 = vector.shape_cast %reduce_sum3A_157 : vector<64xf32> to vector<1x64xf32>
    %add3A_159 = arith.addf %get3A_156, %broadcast_in_dim3A_158 : vector<1x64xf32>
    %swap3A_160 = arith.constant 1 : index
    %swap3A_161 = arith.constant 0 : index
    %swap3A_162 = vector.load %arg28[%swap3A_160, %swap3A_161] : memref<2x64xf32, #tpu.memory_space<vmem>>, vector<1x64xf32>
    tpu.vector_store %arg28[%swap3A_160, %swap3A_161], %add3A_159 {strides = array<i32>} : memref<2x64xf32, #tpu.memory_space<vmem>>, vector<1x64xf32>,
    %eq3A_163 = arith.constant 7 : i32
    %eq3A_164 = arith.cmpi eq, %arg0, %eq3A_163 : i32
    %convert_element_type3A_165 = arith.extui %eq3A_164 : i1 to i32
    %cond3A_166 = arith.constant 0 : i32
    %cond3A_167 = arith.cmpi ne, %convert_element_type3A_165, %cond3A_166 : i32
    scf.if %cond3A_167 {
      %get3A_168 = arith.constant 0 : index
      %get3A_169 = arith.constant 0 : index
      %get3A_170 = vector.load %arg25[%get3A_168, %get3A_169] : memref<4096x128xf32, #tpu.memory_space<vmem>>, vector<4096x128xf32>
      %get3A_171 = arith.constant 0 : index
      %get3A_172 = arith.constant 0 : index
      %get3A_173 = vector.load %arg26[%get3A_171, %get3A_172] : memref<4096x128xf32, #tpu.memory_space<vmem>>, vector<4096x128xf32>
      %reduce_min3A = arith.constant dense<0x7F800000> : vector<4096xf32>
      %reduce_min3A_174 = vector.multi_reduction <minimumf>, %get3A_170, %reduce_min3A [1] : vector<4096x128xf32> to vector<4096xf32>
      %broadcast_in_dim3A_175 = vector.shape_cast %reduce_min3A_174 : vector<4096xf32> to vector<4096x1xf32>
      %eq3A_176 = vector.broadcast %broadcast_in_dim3A_175 : vector<4096x1xf32> to vector<4096x128xf32>
      %eq3A_177 = arith.cmpf oeq, %get3A_170, %eq3A_176 : vector<4096x128xf32>
      %jit3A = arith.constant 8.192000e+03 : f32
      %broadcast_in_dim3A_178 = vector.broadcast %jit3A : f32 to vector<4096x128xf32>
      %select_n3A_179 = arith.select %eq3A_177, %get3A_173, %broadcast_in_dim3A_178 : vector<4096x128xi1>, vector<4096x128xf32>
      %reduce_min3A_180 = arith.constant dense<0x7F800000> : vector<4096xf32>
      %reduce_min3A_181 = vector.multi_reduction <minimumf>, %select_n3A_179, %reduce_min3A_180 [1] : vector<4096x128xf32> to vector<4096xf32>
      %broadcast_in_dim3A_182 = vector.shape_cast %reduce_min3A_181 : vector<4096xf32> to vector<4096x1xf32>
      %convert_element_type3A_183 = arith.fptosi %broadcast_in_dim3A_182 : vector<4096x1xf32> to vector<4096x1xi32>
      %swap3A_184 = arith.constant 0 : index
      %swap3A_185 = arith.constant 0 : index
      %swap3A_186 = vector.load %arg19[%swap3A_184, %swap3A_185] : memref<4096x1xi32, #tpu.memory_space<vmem>>, vector<4096x1xi32>
      tpu.vector_store %arg19[%swap3A_184, %swap3A_185], %convert_element_type3A_183 {strides = array<i32>} : memref<4096x1xi32, #tpu.memory_space<vmem>>, vector<4096x1xi32>,
      %get3A_187 = arith.constant 0 : index
      %get3A_188 = arith.constant 0 : index
      %get3A_189 = vector.load %arg21[%get3A_187, %get3A_188] : memref<4096x64xf32, #tpu.memory_space<vmem>>, vector<4096x64xf32>
      %get3A_190 = arith.constant 0 : index
      %get3A_191 = arith.constant 0 : index
      %get3A_192 = vector.load %arg23[%get3A_190, %get3A_191] : memref<4096x1xf32, #tpu.memory_space<vmem>>, vector<4096x1xf32>
      %get3A_193 = arith.constant 1 : index
      %get3A_194 = arith.constant 0 : index
      %get3A_195 = vector.load %arg28[%get3A_193, %get3A_194] : memref<2x64xf32, #tpu.memory_space<vmem>>, vector<1x64xf32>
      %mul3A_196 = vector.broadcast %get3A_192 : vector<4096x1xf32> to vector<4096x64xf32>
      %mul3A_197 = vector.broadcast %get3A_195 : vector<1x64xf32> to vector<4096x64xf32>
      %mul3A_198 = arith.mulf %mul3A_196, %mul3A_197 : vector<4096x64xf32>
      %get3A_199 = arith.constant 0 : index
      %get3A_200 = arith.constant 0 : index
      %get3A_201 = vector.load %arg28[%get3A_199, %get3A_200] : memref<2x64xf32, #tpu.memory_space<vmem>>, vector<1x64xf32>
      %add3A_202 = vector.broadcast %get3A_201 : vector<1x64xf32> to vector<4096x64xf32>
      %add3A_203 = arith.addf %mul3A_198, %add3A_202 : vector<4096x64xf32>
      %get3A_204 = arith.constant 0 : index
      %get3A_205 = arith.constant 0 : index
      %get3A_206 = vector.load %arg27[%get3A_204, %get3A_205] : memref<64x64xf32, #tpu.memory_space<vmem>>, vector<64x64xf32>
      %dot_general3A_207 = arith.constant dense<0.000000e+00> : vector<4096x64xf32>
      %dot_general3A_208 = tpu.matmul %get3A_189, %get3A_206, %dot_general3A_207 {dimension_numbers = #tpu.dot_dimension_numbers<[1], [0], [0], [1], [0, 0, 1, 1], [], []>, transpose_lhs_hint = false} : vector<4096x64xf32>, vector<64x64xf32>, vector<4096x64xf32> -> vector<4096x64xf32>
      %mul3A_209 = arith.constant 2.000000e+00 : f32
      %mul3A_210 = vector.broadcast %mul3A_209 : f32 to vector<4096x64xf32>
      %mul3A_211 = arith.mulf %mul3A_210, %dot_general3A_208 : vector<4096x64xf32>
      %sub3A_212 = arith.subf %add3A_203, %mul3A_211 : vector<4096x64xf32>
      %get3A_213 = arith.constant 0 : index
      %get3A_214 = arith.constant 0 : index
      %get3A_215 = vector.load %arg1[%get3A_213, %get3A_214] : memref<4096x64xf32, #tpu.memory_space<vmem>>, vector<4096x64xf32>
      %get3A_216 = arith.constant 0 : index
      %get3A_217 = arith.constant 0 : index
      %get3A_218 = vector.load %arg11[%get3A_216, %get3A_217] : memref<8256x64xf32, #tpu.memory_space<vmem>>, vector<64x64xf32>
      %dot_general3A_219 = arith.constant dense<0.000000e+00> : vector<4096x64xf32>
      %dot_general3A_220 = tpu.matmul %get3A_215, %get3A_218, %dot_general3A_219 {dimension_numbers = #tpu.dot_dimension_numbers<[1], [0], [0], [1], [0, 0, 1, 1], [], []>, transpose_lhs_hint = false} : vector<4096x64xf32>, vector<64x64xf32>, vector<4096x64xf32> -> vector<4096x64xf32>
      %add3A_221 = arith.addf %dot_general3A_220, %sub3A_212 : vector<4096x64xf32>
      %get3A_222 = arith.constant 0 : index
      %get3A_223 = vector.load %arg12[%get3A_222] : memref<64xf32, #tpu.memory_space<vmem>>, vector<64xf32>
      %broadcast_in_dim3A_224 = vector.shape_cast %get3A_223 : vector<64xf32> to vector<1x64xf32>
      %add3A_225 = vector.broadcast %broadcast_in_dim3A_224 : vector<1x64xf32> to vector<4096x64xf32>
      %add3A_226 = arith.addf %add3A_221, %add3A_225 : vector<4096x64xf32>
      %tanh3A = math.tanh %add3A_226 : vector<4096x64xf32>
      %get3A_227 = arith.constant 0 : index
      %get3A_228 = arith.constant 0 : index
      %get3A_229 = vector.load %arg13[%get3A_227, %get3A_228] : memref<64x64xf32, #tpu.memory_space<vmem>>, vector<64x64xf32>
      %dot_general3A_230 = arith.constant dense<0.000000e+00> : vector<4096x64xf32>
      %dot_general3A_231 = tpu.matmul %tanh3A, %get3A_229, %dot_general3A_230 {dimension_numbers = #tpu.dot_dimension_numbers<[1], [0], [0], [1], [0, 0, 1, 1], [], []>, transpose_lhs_hint = false} : vector<4096x64xf32>, vector<64x64xf32>, vector<4096x64xf32> -> vector<4096x64xf32>
      %get3A_232 = arith.constant 0 : index
      %get3A_233 = vector.load %arg14[%get3A_232] : memref<64xf32, #tpu.memory_space<vmem>>, vector<64xf32>
      %broadcast_in_dim3A_234 = vector.shape_cast %get3A_233 : vector<64xf32> to vector<1x64xf32>
      %add3A_235 = vector.broadcast %broadcast_in_dim3A_234 : vector<1x64xf32> to vector<4096x64xf32>
      %add3A_236 = arith.addf %dot_general3A_231, %add3A_235 : vector<4096x64xf32>
      %tanh3A_237 = math.tanh %add3A_236 : vector<4096x64xf32>
      %get3A_238 = arith.constant 0 : index
      %get3A_239 = arith.constant 0 : index
      %get3A_240 = vector.load %arg15[%get3A_238, %get3A_239] : memref<64x16xf32, #tpu.memory_space<vmem>>, vector<64x16xf32>
      %dot_general3A_241 = arith.constant dense<0.000000e+00> : vector<4096x16xf32>
      %dot_general3A_242 = tpu.matmul %tanh3A_237, %get3A_240, %dot_general3A_241 {dimension_numbers = #tpu.dot_dimension_numbers<[1], [0], [0], [1], [0, 0, 1, 1], [], []>, transpose_lhs_hint = false} : vector<4096x64xf32>, vector<64x16xf32>, vector<4096x16xf32> -> vector<4096x16xf32>
      %get3A_243 = arith.constant 0 : index
      %get3A_244 = vector.load %arg16[%get3A_243] : memref<16xf32, #tpu.memory_space<vmem>>, vector<16xf32>
      %broadcast_in_dim3A_245 = vector.shape_cast %get3A_244 : vector<16xf32> to vector<1x16xf32>
      %add3A_246 = vector.broadcast %broadcast_in_dim3A_245 : vector<1x16xf32> to vector<4096x16xf32>
      %add3A_247 = arith.addf %dot_general3A_242, %add3A_246 : vector<4096x16xf32>
      %get3A_248 = arith.constant 0 : index
      %get3A_249 = vector.load %arg17[%get3A_248] : memref<16xf32, #tpu.memory_space<vmem>>, vector<16xf32>
      %broadcast_in_dim3A_250 = vector.shape_cast %get3A_249 : vector<16xf32> to vector<1x16xf32>
      %exp3A = math.exp %broadcast_in_dim3A_250 : vector<1x16xf32>
      %get3A_251 = arith.constant 0 : index
      %get3A_252 = arith.constant 0 : index
      %get3A_253 = vector.load %arg3[%get3A_251, %get3A_252] : memref<4096x16xf32, #tpu.memory_space<vmem>>, vector<4096x16xf32>
      %sub3A_254 = arith.subf %get3A_253, %add3A_247 : vector<4096x16xf32>
      %div3A = vector.broadcast %exp3A : vector<1x16xf32> to vector<4096x16xf32>
      %div3A_255 = arith.divf %sub3A_254, %div3A : vector<4096x16xf32>
      %mul3A_256 = arith.constant -5.000000e-01 : f32
      %mul3A_257 = vector.broadcast %mul3A_256 : f32 to vector<4096x16xf32>
      %mul3A_258 = arith.mulf %mul3A_257, %div3A_255 : vector<4096x16xf32>
      %mul3A_259 = arith.mulf %mul3A_258, %div3A_255 : vector<4096x16xf32>
      %sub3A_260 = vector.broadcast %broadcast_in_dim3A_250 : vector<1x16xf32> to vector<4096x16xf32>
      %sub3A_261 = arith.subf %mul3A_259, %sub3A_260 : vector<4096x16xf32>
      %sub3A_262 = arith.constant 0.918938517 : f32
      %sub3A_263 = vector.broadcast %sub3A_262 : f32 to vector<4096x16xf32>
      %sub3A_264 = arith.subf %sub3A_261, %sub3A_263 : vector<4096x16xf32>
      %exp3A_265 = math.exp %sub3A_264 : vector<4096x16xf32>
      %add3A_266 = arith.constant 1.000000e-01 : f32
      %add3A_267 = vector.broadcast %add3A_266 : f32 to vector<4096x16xf32>
      %add3A_268 = arith.addf %exp3A_265, %add3A_267 : vector<4096x16xf32>
      %div3A_269 = arith.constant 1.000000e+00 : f32
      %div3A_270 = vector.broadcast %div3A_269 : f32 to vector<4096x16xf32>
      %div3A_271 = arith.divf %div3A_270, %add3A_268 : vector<4096x16xf32>
      %reduce_sum3A_272 = arith.constant dense<0.000000e+00> : vector<4096xf32>
      %reduce_sum3A_273 = vector.multi_reduction <add>, %div3A_271, %reduce_sum3A_272 [1] : vector<4096x16xf32> to vector<4096xf32>
      %broadcast_in_dim3A_274 = vector.shape_cast %reduce_sum3A_273 : vector<4096xf32> to vector<4096x1xf32>
      %swap3A_275 = arith.constant 0 : index
      %swap3A_276 = arith.constant 0 : index
      %swap3A_277 = vector.load %arg20[%swap3A_275, %swap3A_276] : memref<4096x1xf32, #tpu.memory_space<vmem>>, vector<4096x1xf32>
      tpu.vector_store %arg20[%swap3A_275, %swap3A_276], %broadcast_in_dim3A_274 {strides = array<i32>} : memref<4096x1xf32, #tpu.memory_space<vmem>>, vector<4096x1xf32>,
      %swap3A_278 = arith.constant 0 : index
      %swap3A_279 = arith.constant 0 : index
      %swap3A_280 = vector.load %arg18[%swap3A_278, %swap3A_279] : memref<4096x64xf32, #tpu.memory_space<vmem>>, vector<4096x64xf32>
      tpu.vector_store %arg18[%swap3A_278, %swap3A_279], %get3A_189 {strides = array<i32>} : memref<4096x64xf32, #tpu.memory_space<vmem>>, vector<4096x64xf32>,
    } else {
    }
    return
  }
  func.func @transform_0(%arg0: i32) -> (i32, i32) {
    %c0_i32 = arith.constant 0 : i32
    %c0_i32_0 = arith.constant 0 : i32
    %c0_i32_1 = arith.constant 0 : i32
    return %c0_i32, %c0_i32_0 : i32, i32
  }
  func.func @transform_1(%arg0: i32) -> (i32, i32) {
    %c0_i32 = arith.constant 0 : i32
    %c0_i32_0 = arith.constant 0 : i32
    %c0_i32_1 = arith.constant 0 : i32
    return %c0_i32, %c0_i32_0 : i32, i32
  }
  func.func @transform_2(%arg0: i32) -> (i32, i32) {
    %c0_i32 = arith.constant 0 : i32
    %c0_i32_0 = arith.constant 0 : i32
    %c0_i32_1 = arith.constant 0 : i32
    return %c0_i32, %c0_i32_0 : i32, i32
  }
  func.func @transform_3(%arg0: i32) -> (i32, i32) {
    %c0_i32 = arith.constant 0 : i32
    %c0_i32_0 = arith.constant 0 : i32
    %c0_i32_1 = arith.constant 0 : i32
    return %c0_i32, %c0_i32_0 : i32, i32
  }
  func.func @transform_4(%arg0: i32) -> i32 {
    %c0_i32 = arith.constant 0 : i32
    %c0_i32_0 = arith.constant 0 : i32
    return %c0_i32 : i32
  }
  func.func @transform_5(%arg0: i32) -> (i32, i32) {
    %c0_i32 = arith.constant 0 : i32
    %c0_i32_0 = arith.constant 0 : i32
    %c0_i32_1 = arith.constant 0 : i32
    return %c0_i32, %c0_i32_0 : i32, i32
  }
  func.func @transform_6(%arg0: i32) -> i32 {
    %c0_i32 = arith.constant 0 : i32
    %c0_i32_0 = arith.constant 0 : i32
    return %c0_i32 : i32
  }
  func.func @transform_7(%arg0: i32) -> (i32, i32) {
    %c0_i32 = arith.constant 0 : i32
    %c0_i32_0 = arith.constant 0 : i32
    %c0_i32_1 = arith.constant 0 : i32
    return %c0_i32, %c0_i32_0 : i32, i32
  }
  func.func @transform_8(%arg0: i32) -> i32 {
    %c0_i32 = arith.constant 0 : i32
    %c0_i32_0 = arith.constant 0 : i32
    return %c0_i32 : i32
  }
  func.func @transform_9(%arg0: i32) -> (i32, i32) {
    %c0_i32 = arith.constant 0 : i32
    %c0_i32_0 = arith.constant 0 : i32
    %c0_i32_1 = arith.constant 0 : i32
    return %c0_i32, %c0_i32_0 : i32, i32
  }
  func.func @transform_10(%arg0: i32) -> (i32, i32) {
    %c0_i32 = arith.constant 0 : i32
    %c0_i32_0 = arith.constant 0 : i32
    %c0_i32_1 = arith.constant 0 : i32
    return %c0_i32, %c0_i32_0 : i32, i32
  }
  func.func @transform_11(%arg0: i32) -> i32 {
    %c0_i32 = arith.constant 0 : i32
    %c0_i32_0 = arith.constant 0 : i32
    return %c0_i32 : i32
  }
  func.func @transform_12(%arg0: i32) -> (i32, i32) {
    %c0_i32 = arith.constant 0 : i32
    %c0_i32_0 = arith.constant 0 : i32
    %c0_i32_1 = arith.constant 0 : i32
    return %c0_i32, %c0_i32_0 : i32, i32
  }
  func.func @transform_13(%arg0: i32) -> i32 {
    %c0_i32 = arith.constant 0 : i32
    %c0_i32_0 = arith.constant 0 : i32
    return %c0_i32 : i32
  }
  func.func @transform_14(%arg0: i32) -> (i32, i32) {
    %c0_i32 = arith.constant 0 : i32
    %c0_i32_0 = arith.constant 0 : i32
    %c0_i32_1 = arith.constant 0 : i32
    return %c0_i32, %c0_i32_0 : i32, i32
  }
  func.func @transform_15(%arg0: i32) -> i32 {
    %c0_i32 = arith.constant 0 : i32
    %c0_i32_0 = arith.constant 0 : i32
    return %c0_i32 : i32
  }
  func.func @transform_16(%arg0: i32) -> i32 {
    %c0_i32 = arith.constant 0 : i32
    %c0_i32_0 = arith.constant 0 : i32
    return %c0_i32 : i32
  }
  func.func @transform_17(%arg0: i32) -> (i32, i32) {
    %c0_i32 = arith.constant 0 : i32
    %c0_i32_0 = arith.constant 0 : i32
    %c0_i32_1 = arith.constant 0 : i32
    return %c0_i32, %c0_i32_0 : i32, i32
  }
  func.func @transform_18(%arg0: i32) -> (i32, i32) {
    %c0_i32 = arith.constant 0 : i32
    %c0_i32_0 = arith.constant 0 : i32
    %c0_i32_1 = arith.constant 0 : i32
    return %c0_i32, %c0_i32_0 : i32, i32
  }
  func.func @transform_19(%arg0: i32) -> (i32, i32) {
    %c0_i32 = arith.constant 0 : i32
    %c0_i32_0 = arith.constant 0 : i32
    %c0_i32_1 = arith.constant 0 : i32
    return %c0_i32, %c0_i32_0 : i32, i32
  }
}

module attributes {stable_mosaic.version = 14 : i64} {
  func.func @_tail_body(%arg0: memref<4096x64xf32, #tpu.memory_space<vmem>>, %arg1: memref<4096x64xf32, #tpu.memory_space<vmem>>, %arg2: memref<4096x64xf32, #tpu.memory_space<vmem>>, %arg3: memref<4096x1xf32, #tpu.memory_space<vmem>>, %arg4: memref<64x256xf32, #tpu.memory_space<vmem>>, %arg5: memref<256xf32, #tpu.memory_space<vmem>>, %arg6: memref<256x256xf32, #tpu.memory_space<vmem>>, %arg7: memref<256xf32, #tpu.memory_space<vmem>>, %arg8: memref<256x64xf32, #tpu.memory_space<vmem>>, %arg9: memref<64xf32, #tpu.memory_space<vmem>>, %arg10: memref<1xf32, #tpu.memory_space<vmem>>, %arg11: memref<4096x1xf32, #tpu.memory_space<vmem>>, %arg12: memref<1x1xf32, #tpu.memory_space<vmem>>) attributes {dimension_semantics = [], scalar_prefetch = 0 : i64, scratch_operands = 0 : i64, tpu.core_type = #tpu.core_type<tc>} {
    %get3A = arith.constant 0 : index
    %get3A_0 = arith.constant 0 : index
    %get3A_1 = vector.load %arg2[%get3A, %get3A_0] : memref<4096x64xf32, #tpu.memory_space<vmem>>, vector<4096x64xf32>
    %get3A_2 = arith.constant 0 : index
    %get3A_3 = arith.constant 0 : index
    %get3A_4 = vector.load %arg4[%get3A_2, %get3A_3] : memref<64x256xf32, #tpu.memory_space<vmem>>, vector<64x256xf32>
    %dot_general3A = arith.constant dense<0.000000e+00> : vector<4096x256xf32>
    %dot_general3A_5 = tpu.matmul %get3A_1, %get3A_4, %dot_general3A {dimension_numbers = #tpu.dot_dimension_numbers<[1], [0], [0], [1], [0, 0, 1, 1], [], []>, transpose_lhs_hint = false} : vector<4096x64xf32>, vector<64x256xf32>, vector<4096x256xf32> -> vector<4096x256xf32>
    %get3A_6 = arith.constant 0 : index
    %get3A_7 = vector.load %arg5[%get3A_6] : memref<256xf32, #tpu.memory_space<vmem>>, vector<256xf32>
    %broadcast_in_dim3A = vector.shape_cast %get3A_7 : vector<256xf32> to vector<1x256xf32>
    %add3A = vector.broadcast %broadcast_in_dim3A : vector<1x256xf32> to vector<4096x256xf32>
    %add3A_8 = arith.addf %dot_general3A_5, %add3A : vector<4096x256xf32>
    %tanh3A = math.tanh %add3A_8 : vector<4096x256xf32>
    %get3A_9 = arith.constant 0 : index
    %get3A_10 = arith.constant 0 : index
    %get3A_11 = vector.load %arg6[%get3A_9, %get3A_10] : memref<256x256xf32, #tpu.memory_space<vmem>>, vector<256x256xf32>
    %dot_general3A_12 = arith.constant dense<0.000000e+00> : vector<4096x256xf32>
    %dot_general3A_13 = tpu.matmul %tanh3A, %get3A_11, %dot_general3A_12 {dimension_numbers = #tpu.dot_dimension_numbers<[1], [0], [0], [1], [0, 0, 1, 1], [], []>, transpose_lhs_hint = false} : vector<4096x256xf32>, vector<256x256xf32>, vector<4096x256xf32> -> vector<4096x256xf32>
    %get3A_14 = arith.constant 0 : index
    %get3A_15 = vector.load %arg7[%get3A_14] : memref<256xf32, #tpu.memory_space<vmem>>, vector<256xf32>
    %broadcast_in_dim3A_16 = vector.shape_cast %get3A_15 : vector<256xf32> to vector<1x256xf32>
    %add3A_17 = vector.broadcast %broadcast_in_dim3A_16 : vector<1x256xf32> to vector<4096x256xf32>
    %add3A_18 = arith.addf %dot_general3A_13, %add3A_17 : vector<4096x256xf32>
    %tanh3A_19 = math.tanh %add3A_18 : vector<4096x256xf32>
    %get3A_20 = arith.constant 0 : index
    %get3A_21 = arith.constant 0 : index
    %get3A_22 = vector.load %arg8[%get3A_20, %get3A_21] : memref<256x64xf32, #tpu.memory_space<vmem>>, vector<256x64xf32>
    %dot_general3A_23 = arith.constant dense<0.000000e+00> : vector<4096x64xf32>
    %dot_general3A_24 = tpu.matmul %tanh3A_19, %get3A_22, %dot_general3A_23 {dimension_numbers = #tpu.dot_dimension_numbers<[1], [0], [0], [1], [0, 0, 1, 1], [], []>, transpose_lhs_hint = false} : vector<4096x256xf32>, vector<256x64xf32>, vector<4096x64xf32> -> vector<4096x64xf32>
    %get3A_25 = arith.constant 0 : index
    %get3A_26 = vector.load %arg9[%get3A_25] : memref<64xf32, #tpu.memory_space<vmem>>, vector<64xf32>
    %broadcast_in_dim3A_27 = vector.shape_cast %get3A_26 : vector<64xf32> to vector<1x64xf32>
    %add3A_28 = vector.broadcast %broadcast_in_dim3A_27 : vector<1x64xf32> to vector<4096x64xf32>
    %add3A_29 = arith.addf %dot_general3A_24, %add3A_28 : vector<4096x64xf32>
    %get3A_30 = arith.constant 0 : index
    %get3A_31 = arith.constant 0 : index
    %get3A_32 = vector.load %arg0[%get3A_30, %get3A_31] : memref<4096x64xf32, #tpu.memory_space<vmem>>, vector<4096x64xf32>
    %sub3A = arith.subf %get3A_32, %add3A_29 : vector<4096x64xf32>
    %mul3A = arith.mulf %sub3A, %sub3A : vector<4096x64xf32>
    %reduce_sum3A = vector.shape_cast %mul3A : vector<4096x64xf32> to vector<1x4096x64xf32>
    %reduce_sum3A_33 = arith.constant dense<0.000000e+00> : vector<1xf32>
    %reduce_sum3A_34 = vector.multi_reduction <add>, %reduce_sum3A, %reduce_sum3A_33 [1, 2] : vector<1x4096x64xf32> to vector<1xf32>
    %reduce_sum3A_35 = vector.shape_cast %reduce_sum3A_34 : vector<1xf32> to vector<1x1x1xf32>
    %reduce_sum3A_36 = vector.extract %reduce_sum3A_35[0, 0, 0] : f32 from vector<1x1x1xf32>
    %mul3A_37 = arith.constant 3.81469727E-6 : f32
    %mul3A_38 = arith.mulf %reduce_sum3A_36, %mul3A_37 : f32
    %get3A_39 = arith.constant 0 : index
    %get3A_40 = arith.constant 0 : index
    %get3A_41 = vector.load %arg1[%get3A_39, %get3A_40] : memref<4096x64xf32, #tpu.memory_space<vmem>>, vector<4096x64xf32>
    %sub3A_42 = arith.subf %get3A_41, %get3A_1 : vector<4096x64xf32>
    %mul3A_43 = arith.mulf %sub3A_42, %sub3A_42 : vector<4096x64xf32>
    %reduce_sum3A_44 = vector.shape_cast %mul3A_43 : vector<4096x64xf32> to vector<1x4096x64xf32>
    %reduce_sum3A_45 = arith.constant dense<0.000000e+00> : vector<1xf32>
    %reduce_sum3A_46 = vector.multi_reduction <add>, %reduce_sum3A_44, %reduce_sum3A_45 [1, 2] : vector<1x4096x64xf32> to vector<1xf32>
    %reduce_sum3A_47 = vector.shape_cast %reduce_sum3A_46 : vector<1xf32> to vector<1x1x1xf32>
    %reduce_sum3A_48 = vector.extract %reduce_sum3A_47[0, 0, 0] : f32 from vector<1x1x1xf32>
    %mul3A_49 = arith.constant 3.81469727E-6 : f32
    %mul3A_50 = arith.mulf %reduce_sum3A_48, %mul3A_49 : f32
    %add3A_51 = arith.addf %mul3A_38, %mul3A_50 : f32
    %get3A_52 = arith.constant 0 : index
    %get3A_53 = vector.load %arg10[%get3A_52] : memref<1xf32, #tpu.memory_space<vmem>>, vector<1xf32>
    %get3A_54 = vector.extract %get3A_53[0] : f32 from vector<1xf32>
    %mul3A_55 = arith.mulf %get3A_54, %mul3A_50 : f32
    %add3A_56 = arith.addf %add3A_51, %mul3A_55 : f32
    %broadcast_in_dim3A_57 = vector.broadcast %add3A_56 : f32 to vector<1x1xf32>
    %swap3A = arith.constant 0 : index
    %swap3A_58 = arith.constant 0 : index
    %swap3A_59 = vector.load %arg12[%swap3A, %swap3A_58] : memref<1x1xf32, #tpu.memory_space<vmem>>, vector<1x1xf32>
    tpu.vector_store %arg12[%swap3A, %swap3A_58], %broadcast_in_dim3A_57 {strides = array<i32>} : memref<1x1xf32, #tpu.memory_space<vmem>>, vector<1x1xf32>,
    %get3A_60 = arith.constant 0 : index
    %get3A_61 = arith.constant 0 : index
    %get3A_62 = vector.load %arg3[%get3A_60, %get3A_61] : memref<4096x1xf32, #tpu.memory_space<vmem>>, vector<4096x1xf32>
    %mul3A_63 = vector.broadcast %add3A_56 : f32 to vector<4096x1xf32>
    %mul3A_64 = arith.mulf %get3A_62, %mul3A_63 : vector<4096x1xf32>
    %swap3A_65 = arith.constant 0 : index
    %swap3A_66 = arith.constant 0 : index
    %swap3A_67 = vector.load %arg11[%swap3A_65, %swap3A_66] : memref<4096x1xf32, #tpu.memory_space<vmem>>, vector<4096x1xf32>
    tpu.vector_store %arg11[%swap3A_65, %swap3A_66], %mul3A_64 {strides = array<i32>} : memref<4096x1xf32, #tpu.memory_space<vmem>>, vector<4096x1xf32>,
    return
  }
}

</mosaic_0001>

<sc_bundles>
// kernel: kernel.5.cloned.1.call-start
scs
__scs_entry_jumppad:
0x0: {  	(pc) =	sbr.rel $0x88, $3  }
0x1: {  	(tag) =	ssettag $0x0;
	lr =	simm.s32 $0x1  }
0x2: {  	[smem:$0x3F89] =	sst lr;
	_ =	strace $0xD0000000  }
0x3: {  	_ = 	snop  }
0x4: {  	_ = 	snop  }
0x5: {  	_ = 	snop  }
0x6: {  	_ = 	snop  }
0x7: {  	_ = 	snop  }
__scs_overlays_trampoline_lowered:
0x8: {  	[smem:$0x3F98] =	sst s0  }
0x9: {  	[smem:$0x3F99] =	sst s1  }
0xa: {  	[smem:$0x3F9A] =	sst s2  }
0xb: {  	[smem:$0x3F9B] =	sst s3  }
0xc: {  	[smem:$0x3F9C] =	sst s4  }
0xd: {  	[smem:$0x3F9D] =	sst s5  }
0xe: {  	[smem:$0x3F9E] =	sst s6  }
0xf: {  	[smem:$0x3F9F] =	sst s7  }
0x10: {  	[smem:$0x3FA0] =	sst s8  }
0x11: {  	[smem:$0x3FA1] =	sst s9;
	s0 =	simm.s32 @!p0 $0x0  }
0x12: {  	s1 =	sld [smem:$0x3F87];
	s0 =	simm.s32 @p0 $0x1  }
0x13: {  	[smem:$0x3FA2] =	sst s0;
	s0 =	simm.s32 @!p1 $0x0  }
0x14: {  	s2 =	sld [smem:$0x3F86];
	s0 =	simm.s32 @p1 $0x1  }
0x15: {  	[smem:$0x3FA3] =	sst s0;
	s0 =	simm.s32 @!p2 $0x0  }
0x16: {  	s3 =	sld [smem:$0x3FDB];
	s0 =	simm.s32 @p2 $0x1  }
0x17: {  	s4 =	simm.s32 $0x1BF5;
	[smem:$0x3FA5] =	sst s0  }
0x18: {  	s0 =	sld [smem:$0x3F88];
	_ =	swait.ge [sflag:s4], $0x0  }
0x19: {  	s7 =	sld [smem:$0x3F89]  }
0x1a: {  	s8 =	sadd.s32 $0xFFFFE003, lr  }
0x1b: {  	s9 =	sadd.s32 $0xFFFFFEF7, lr;
	s5 =	simm.s32 $0xFFFFFFFF;
	p2 =	slt.u32 s8, $0xFFFFF086  }
0x1c: {  	p1 =	slt.u32 s9, $0xF7A;
	s5 =	simm.s32 @!p2 $0x0  }
0x1d: {  	s5 =	simm.s32 @p1 $0x1;
	p0 =	seq.s32 s7, s2  }
0x1e: {  	s7 =	smul.u32 @!p0 $0xF7A, s2;
	p2 =	seq.s32 @!p0 s5, $0x0  }
0x1f: {  	s9 =	smul.u32 $0xF7A, s1;
	s8 =	simm.s32 @!p0 $0x1BF5;
	p2 =	por !p2, p0  }
0x20: {  	[sflag:s8] =	ssyncset.s32 @!p0 $0xFFFFF086;
	s6 =	sadd.s32 @!p0 s3, s7;
	s7 =	simm.s32 @!p0 $0x108  }
0x21: {  	s3 =	sadd.s32 s3, s9;
	s6 =	sadd.s32 @!p0 $0x88, s6;
	s7 =	simm.s32 @p2 $0x1082  }
0x22: {  	[simem:s7], [sflag:s8] =	dma.local @!p0 [hbm:s6], $0xF7A  }
0x23: {  	s9 =	sor.u32 $0xD0000000, s2;
	s6 =	simm.s32 $0x108;
	_ =	swait.ge @!p0 [sflag:s8], $0x0  }
0x24: {  	s3 =	sadd.s32 $0x88, s3;
	s6 =	simm.s32 @!p1 $0x1082;
	[sflag:s4] =	ssyncset.s32 $0xFFFFF086  }
0x25: {  	[simem:s6], [sflag:s4] =	dma.local [hbm:s3], $0xF7A  }
0x26: {  	[smem:$0x3F89] =	sst s1;
	(tag) =	ssettag s2;
	_ =	strace s9  }
0x27: {  	s1 =	sld [smem:$0x3F99]  }
0x28: {  	s2 =	sld [smem:$0x3F9A]  }
0x29: {  	s4 =	sld [smem:$0x3F9C]  }
0x2a: {  	p0 =	seq.s32 s5, $0x0;
	s5 =	sld [smem:$0x3F9D]  }
0x2b: {  	s6 =	sld [smem:$0x3F9E]  }
0x2c: {  	s7 =	sld [smem:$0x3F9F]  }
0x2d: {  	s3 =	simm.s32 $0x108;
	s8 =	sld [smem:$0x3FA0]  }
0x2e: {  	s3 =	simm.s32 @!p0 $0x1082;
	s9 =	sld [smem:$0x3FA1]  }
0x2f: {  	lr =	sadd.s32 s0, s3;
	s0 =	sld [smem:$0x3F98]  }
0x30: {  	s3 =	sld [smem:$0x3F9B]  }
0x31: {  	[smem:$0x3FA4] =	sst s10  }
0x32: {  	s10 =	sld [smem:$0x3FA2];
	_ =	sdelay $0x3  }
0x33: {  	p0 =	seq.s32 s10, $0x1;
	s10 =	sld [smem:$0x3FA4];
	_ =	sdelay $0x3  }
0x34: {  	[smem:$0x3FA4] =	sst s10  }
0x35: {  	s10 =	sld [smem:$0x3FA3];
	_ =	sdelay $0x3  }
0x36: {  	p1 =	seq.s32 s10, $0x1;
	s10 =	sld [smem:$0x3FA4];
	_ =	sdelay $0x3  }
0x37: {  	[smem:$0x3FA4] =	sst s10  }
0x38: {  	s10 =	sld [smem:$0x3FA5]  }
0x39: {  	_ = 	snop;
	(pc) =	sbr.ind lr, $3  }
0x3a: {  	_ = 	snop  }
0x3b: {  	_ = 	snop  }
0x3c: {  	p2 =	seq.s32 s10, $0x1;
	s10 =	sld [smem:$0x3FA4]  }
0x3d: {  	_ =	shalt  }
0x3e: {  	_ =	shalt  }
0x3f: {  	_ =	shalt  }
0x40: {  	_ =	shalt  }
0x41: {  	_ =	shalt  }
0x42: {  	_ =	shalt  }
0x43: {  	_ =	shalt  }
0x44: {  	_ =	shalt  }
0x45: {  	_ =	shalt  }
0x46: {  	_ =	shalt  }
0x47: {  	_ =	shalt  }
0x48: {  	_ =	shalt  }
0x49: {  	_ =	shalt  }
0x4a: {  	_ =	shalt  }
0x4b: {  	_ =	shalt  }
0x4c: {  	_ =	shalt  }
0x4d: {  	_ =	shalt  }
0x4e: {  	_ =	shalt  }
0x4f: {  	_ =	shalt  }
0x50: {  	_ =	shalt  }
0x51: {  	_ =	shalt  }
0x52: {  	_ =	shalt  }
0x53: {  	_ =	shalt  }
0x54: {  	_ =	shalt  }
0x55: {  	_ =	shalt  }
0x56: {  	_ =	shalt  }
0x57: {  	_ =	shalt  }
0x58: {  	_ =	shalt  }
0x59: {  	_ =	shalt  }
0x5a: {  	_ =	shalt  }
0x5b: {  	_ =	shalt  }
0x5c: {  	_ =	shalt  }
0x5d: {  	_ =	shalt  }
0x5e: {  	_ =	shalt  }
0x5f: {  	_ =	shalt  }
0x60: {  	_ =	shalt  }
0x61: {  	_ =	shalt  }
0x62: {  	_ =	shalt  }
0x63: {  	_ =	shalt  }
0x64: {  	_ =	shalt  }
0x65: {  	_ =	shalt  }
0x66: {  	_ =	shalt  }
0x67: {  	_ =	shalt  }
0x68: {  	_ =	shalt  }
0x69: {  	_ =	shalt  }
0x6a: {  	_ =	shalt  }
0x6b: {  	_ =	shalt  }
0x6c: {  	_ =	shalt  }
0x6d: {  	_ =	shalt  }
0x6e: {  	_ =	shalt  }
0x6f: {  	_ =	shalt  }
0x70: {  	_ =	shalt  }
0x71: {  	_ =	shalt  }
0x72: {  	_ =	shalt  }
0x73: {  	_ =	shalt  }
0x74: {  	_ =	shalt  }
0x75: {  	_ =	shalt  }
0x76: {  	_ =	shalt  }
0x77: {  	_ =	shalt  }
0x78: {  	_ =	shalt  }
0x79: {  	_ =	shalt  }
0x7a: {  	_ =	shalt  }
0x7b: {  	_ =	shalt  }
0x7c: {  	_ =	shalt  }
0x7d: {  	_ =	shalt  }
0x7e: {  	_ =	shalt  }
0x7f: {  	_ =	shalt  }
0x80: {  	_ =	shalt  }
0x81: {  	_ =	shalt  }
0x82: {  	_ =	shalt  }
0x83: {  	_ =	shalt  }
0x84: {  	_ =	shalt  }
0x85: {  	_ =	shalt  }
0x86: {  	_ =	shalt  }
0x87: {  	_ =	shalt  }
.Lfunc_end0:
.L_simem_size_0:
called_computation_lowered:
.L_overlay_start_0:
0x88: {  	s2 =	sld [smem:$0x3FD9]  }
0x89: {  	s3 =	sld [smem:$0x3FFE];
	_ =	sdelay $0x1  }
0x8a: {  	s1 =	srdreg.scid  }
0x8b: {  	s0 =	sand.u32 $0x1, s1  }
0x8c: {  	s14 =	sshll.u32 s0, $0xA;
	s2 =	sadd.s32 s3, s2  }
0x8d: {  	s2 =	sadd.s32 s2, s14  }
0x8e: {  	[smem:$0x3FB0] =	sst s2  }
0x8f: {  	_ = 	snop  }
0x90: {  	s2 =	sld [smem:$0x3FD0];
	_ =	sdelay $0x2  }
0x91: {  	s15 =	simm.s32 $0xA;
	s4 =	simm.s32 $0x10  }
0x92: {  	[smem:s4], [sflag:s15] =	dma.local [hbm:s2], $0x1  }
0x93: {  	_ =	swait.eq [sflag:s15], $0x1  }
0x94: {  	[sflag:s15] =	ssyncset.done $0x0  }
0x95: {  	s16 =	sld [smem:$0x12];
	[sflag:s15] =	ssyncadd.s32 $0xFFFFFFFF  }
0x96: {  	s17 =	sld [smem:$0x13];
	(tm) =	ssettm $0x1  }
0x97: {  	s18 =	sld [smem:$0x3FFB];
	_ =	sdelay $0x3  }
0x98: {  	_ =	strace s18  }
0x99: {  	s4 =	sld [smem:$0x3FFC];
	_ =	sdelay $0x3  }
0x9a: {  	_ =	strace s4  }
0x9b: {  	s4 =	sld [smem:$0x3FFD];
	_ =	sdelay $0x3  }
0x9c: {  	_ =	strace s4  }
0x9d: {  	_ =	strace $0x8FFFFFFF  }
0x9e: {  	s19 =	sld [smem:$0x3FDB];
	_ =	sdelay $0x1  }
0x9f: {  	s5 =	simm.s32 $_scs_section_size  }
0xa0: {  	s6 =	simm.s32 $_size__tile_overlayer_lowered;
	s7 =	simm.s32 $_tile_overlayer_lowered  }
0xa1: {  	s22 =	simm.s32 $0x1BFF;
	s21 =	sshll.u32 s7, $0x1;
	s4 =	sadd.s32 s5, s19  }
0xa2: {  	s8 =	simm.s32 $0x0;
	s20 =	sshll.u32 s6, $0x1;
	s6 =	sadd.s32 s21, s4  }
0xa3: {  	[timem:s8], [sflag:s22] =	dma.local [hbm:s6], s20  }
0xa4: {  	_ =	swait.ge [sflag:s22], s20  }
0xa5: {  	s5 =	ssub.s32 $0x0, s20;
	[sflag:s22] =	ssyncset.done $0x0  }
0xa6: {  	[sflag:s22] =	ssyncadd.s32 s5;
	_ =	sdelay $0x1  }
0xa7: {  	s23 =	simm.s32 $0x1B8B  }
0xa8: {  	_ =	swait.ge [sflag:s23], $0x1  }
0xa9: {  	[sflag:s23] =	ssyncset.done $0x0  }
0xaa: {  	s25 =	simm.s32 $0x1B8E;
	s24 =	sld [smem:$0x3FFE];
	[sflag:s23] =	ssyncadd.s32 $0xFFFFFFFF  }
0xab: {  	s26 =	simm.s32 $execute0_lowered;
	[smem:$0x3FD2] =	sst s25  }
0xac: {  	s6 =	sshll.u32 s26, $0x1;
	_ =	strace $0x80000046;
	[dreg:$0x1] =	wrdreg $0xFFFFFFFF  }
0xad: {  	s28 =	simm.s32 $_size_execute0_lowered;
	s4 =	sadd.s32 s4, s6;
	[dreg:$0x0] =	wrdreg $0x0  }
0xae: {  	s6 =	sshll.u32 s28, $0x1;
	[dreg:$0x2] =	wrdreg s4  }
0xaf: {  	[dreg:$0x3] =	wrdreg s6  }
0xb0: {  	[dreg:$0x4] =	wrdreg $0xC0  }
0xb1: {  	_ =	task [dreg:s8], $0x5FFFF  }
0xb2: {  	[dreg:$0x1] =	wrdreg $0xFFFFFFFF  }
0xb3: {  	[dreg:$0x0] =	wrdreg $0x60  }
0xb4: {  	[dreg:$0x2] =	wrdreg s24  }
0xb5: {  	[dreg:$0x3] =	wrdreg s17  }
0xb6: {  	[dreg:$0x4] =	wrdreg s16  }
0xb7: {  	[dreg:$0x5] =	wrdreg $0x9  }
0xb8: {  	_ =	task.clear_ibuf [dreg:s8], $0x6FFFF;
	_ =	strace $0x90000046  }
0xb9: {  	s29 =	simm.s32 $0x9;
	_ =	strace $0x80000048  }
0xba: {  	_ =	swait.ge [sflag:s29], $0x1  }
0xbb: {  	[sflag:s29] =	ssyncadd.s32 $0xFFFFFFFF  }
0xbc: {  	_ =	strace $0x90000048  }
0xbd: {  	_ =	sfence  }
0xbe: {  	s30 =	sld [smem:$0x0];
	_ =	sdelay $0x2  }
0xbf: {  	s31 =	sshll.u32 s1, $0xD;
	s1 =	sshrl.u32 s1, $0x2  }
0xc0: {  	s3 =	sand.u32 $0x4000, s31;
	s1 =	sadd.s32 s1, s30  }
0xc1: {  	s0 =	sor.u32 s3, s0;
	s1 =	sshll.u32 s1, $0x11  }
0xc2: {  	s0 =	sor.u32 s1, s0  }
0xc3: {  	s0 =	sadd.s32 $0x8F2B, s0  }
0xc4: {  	[sflag:s0] =	ssyncadd.remote.s32 $0x1  }
0xc5: {  	_ =	sfence.sel $0xFFFF  }
0xc6: {  	[dreg:$0x0] =	wrdreg $0xFFFFFFFF;
	(pc) =	sbr.abs _section_cstart, $3  }
0xc7: {  	[dreg:$0x1] =	wrdreg $0xFFFFFFFF  }
0xc8: {  	_ =	task.clear_ibuf [dreg:s8], $0x2FFFF;
	_ =	strace $0x9FFFFFFF  }
0xc9: {  	(tm) =	ssettm $0x7FFFFFFF  }
tec
execute0_lowered:
.L_overlay_start_1:
0x0: {  	(tag) =	ssettag $0x1  }
0x1: {  	s5 =	rddreg [dreg:$0x0];
	s1 =	srdreg.scid  }
0x2: {  	s8 =	rddreg [dreg:$0x1];
	s0 =	stileid.u32;
	s13 =	sand.u32 $0x1, s1  }
0x3: {  	s14 =	rddreg [dreg:$0x2];
	s3 =	sshll.u32 s0, $0x8;
	s4 =	sshll.u32 s13, $0x7  }
0x4: {  	s2 =	simm.s32 $0x0;
	s1 =	rddreg [dreg:$0x3];
	s11 =	sor.u32 s4, s3  }
0x5: {  	[smem:$0x7FF] =	sst s2;
	s3 =	sshrl.u32 s11, $0x3  }
0x6: {  	_ =	strace $0x80000047;
	s4 =	simm.s32 $0x5;
	s3 =	sadd.s32 s8, s3  }
0x7: {  	[tilespmem:s2], [sflag:$0x5] =	stream.linear.gather [hbm4b:s3+s2], $0x40, $0x38;
	[tilespmem:$0x2080] =	vst v63  }
0x8: {  	s6 =	simm.s32 $0x40;
	_ =	swait.ge [sflag:s4], $0x40  }
0x9: {  	s7 =	simm.s32 $0x80;
	s15 =	sor.u32 $0x40, s11;
	[sflag:s4] =	ssyncset.done $0x0  }
0xa: {  	s5 =	sadd.s32 $0x2400, s5;
	s9 =	sshrl.u32 s15, $0x3;
	[sflag:s4] =	ssyncadd.s32 $0xFFFFFFC0  }
0xb: {  	[tilespmem:s7], [sflag:$0x1] =	stream.indirect.gather [hbm4b:s5+s6], $0x40, s2, s6, $0xb8;
	[tilespmem:$0x2080] =	vst v63  }
0xc: {  	s8 =	sadd.s32 s8, s9  }
0xd: {  	[tilespmem:s6], [sflag:$0x5] =	stream.linear.gather [hbm4b:s8+s2], $0x40, $0x38;
	[tilespmem:$0x2080] =	vst v63  }
0xe: {  	_ =	swait.ge [sflag:s4], $0x40  }
0xf: {  	[sflag:s4] =	ssyncset.done $0x0  }
0x10: {  	s10 =	simm.s32 $0x1;
	s9 =	simm.s32 $0x1080;
	[sflag:s4] =	ssyncadd.s32 $0xFFFFFFC0  }
0x11: {  	[tilespmem:s9], [sflag:$0x2] =	stream.indirect.gather [hbm4b:s5+s6], $0x40, s6, s6, $0xb8;
	[tilespmem:$0x2080] =	vst v63  }
0x12: {  	s12 =	simm.s32 $0x2;
	_ =	swait.ge [sflag:s10], $0x1000  }
0x13: {  	s16 =	ssub.s32 $0x2, s13;
	s11 =	sshll.u32 s11, $0x3;
	[sflag:s10] =	ssyncset.done $0x0  }
0x14: {  	s31 =	sshrl.u32 s16, $0x1;
	s11 =	sadd.s32 s14, s11;
	[sflag:s10] =	ssyncadd.s32 $0xFFFFF000  }
0x15: {  	[hbm4b:s11+s2] =	stream.linear.scatter [tilespmem:s7], [sflag:$0x3], $0x1000, $0x38;
	[tilespmem:$0x2080] =	vst v63  }
0x16: {  	s30 =	sshll.u32 s15, $0x3;
	s15 =	ssub.s32 s16, s31;
	_ =	swait.ge [sflag:s12], $0x1000  }
0x17: {  	s13 =	sadd.s32 s14, s30;
	s16 =	smax.u32 s15, $0x1;
	[sflag:s12] =	ssyncset.done $0x0  }
0x18: {  	s14 =	simm.s32 $0x3;
	p0 =	sne.s32 s16, $0x1;
	[sflag:s12] =	ssyncadd.s32 $0xFFFFF000  }
0x19: {  	[hbm4b:s13+s2] =	stream.linear.scatter [tilespmem:s9], [sflag:$0x4], $0x1000, $0x38;
	[tilespmem:$0x2080] =	vst v63  }
.Ltmp0:
0x1a: {  	_ =	swait.ge [sflag:s14], $0x1000;
	(pc) =	sbr.rel @!p0 .LBB2_2-.Ltmp0, $4  }
0x1b: {  	[sflag:s14] =	ssyncset.done $0x0  }
0x1c: {  	s15 =	simm.s32 $0x4;
	[sflag:s14] =	ssyncadd.s32 $0xFFFFF000  }
0x1d: {  	_ =	swait.ge [sflag:s15], $0x1000  }
0x1e: {  	s16 =	sadd.s32 $0xFFFFFFFF, s16;
	[sflag:s15] =	ssyncset.done $0x0  }
.LBB2_1:
0x1f: {  	p0 =	sne.s32 s16, $0x1;
	s16 =	sadd.s32 $0xFFFFFFFF, s16;
	[sflag:s15] =	ssyncadd.s32 $0xFFFFF000  }
0x20: {  	[tilespmem:s2], [sflag:$0x5] =	stream.linear.gather [hbm4b:s3+s2], $0x40, $0x38;
	[tilespmem:$0x2080] =	vst v63  }
0x21: {  	_ =	swait.ge [sflag:s4], $0x40  }
0x22: {  	[sflag:s4] =	ssyncset.done $0x0  }
0x23: {  	[sflag:s4] =	ssyncadd.s32 $0xFFFFFFC0  }
0x24: {  	[tilespmem:s7], [sflag:$0x1] =	stream.indirect.gather [hbm4b:s5+s6], $0x40, s2, s6, $0xb8;
	[tilespmem:$0x2080] =	vst v63  }
0x25: {  	_ = 	snop  }
0x26: {  	[tilespmem:s6], [sflag:$0x5] =	stream.linear.gather [hbm4b:s8+s2], $0x40, $0x38;
	[tilespmem:$0x2080] =	vst v63  }
0x27: {  	_ =	swait.ge [sflag:s4], $0x40  }
0x28: {  	[sflag:s4] =	ssyncset.done $0x0  }
0x29: {  	[sflag:s4] =	ssyncadd.s32 $0xFFFFFFC0  }
0x2a: {  	[tilespmem:s9], [sflag:$0x2] =	stream.indirect.gather [hbm4b:s5+s6], $0x40, s6, s6, $0xb8;
	[tilespmem:$0x2080] =	vst v63  }
0x2b: {  	_ =	swait.ge [sflag:s10], $0x1000  }
0x2c: {  	[sflag:s10] =	ssyncset.done $0x0  }
0x2d: {  	[sflag:s10] =	ssyncadd.s32 $0xFFFFF000  }
0x2e: {  	[hbm4b:s11+s2] =	stream.linear.scatter [tilespmem:s7], [sflag:$0x3], $0x1000, $0x38;
	[tilespmem:$0x2080] =	vst v63  }
0x2f: {  	_ =	swait.ge [sflag:s12], $0x1000  }
0x30: {  	[sflag:s12] =	ssyncset.done $0x0  }
0x31: {  	[sflag:s12] =	ssyncadd.s32 $0xFFFFF000  }
0x32: {  	[hbm4b:s13+s2] =	stream.linear.scatter [tilespmem:s9], [sflag:$0x4], $0x1000, $0x38;
	[tilespmem:$0x2080] =	vst v63  }
.Ltmp1:
0x33: {  	_ =	swait.ge [sflag:s14], $0x1000;
	(pc) =	sbr.rel @p0 .LBB2_1-.Ltmp1, $4  }
0x34: {  	[sflag:s14] =	ssyncset.done $0x0  }
0x35: {  	[sflag:s14] =	ssyncadd.s32 $0xFFFFF000  }
0x36: {  	_ =	swait.ge [sflag:s15], $0x1000  }
0x37: {  	[sflag:s15] =	ssyncset.done $0x0  }
.LBB2_2:
0x38: {  	[sflag:s15] =	ssyncadd.s32 $0xFFFFF000  }
0x39: {  	_ =	sfence.sel $0x180000  }
0x3a: {  	[bflag:$0x0] =	sbarrier.arrive $0xFFFF  }
0x3b: {  	p0 =	sne.s32 s0, $0x0;
	_ =	strace $0x90000047  }
0x3c: {  	s0 =	sadd.s32 @!p0 $0x100000, s1;
	[bflag:$0x2] =	sbarrier.arrive $0xFFFF  }
0x3d: {  	[sflag:s0] =	ssyncadd.tile.s32 @!p0 $0x1;
	_ =	shalt  }
.Lfunc_end2:
_tile_overlayer_lowered:
.L_overlay_start_2:
0x3e: {  	(tag) =	ssettag $0x2  }
0x3f: {  	s0 =	rddreg [dreg:$0x0];
	s2 =	stileid.u32  }
0x40: {  	s1 =	rddreg [dreg:$0x1];
	p0 =	sne.s32 s2, $0x0  }
0x41: {  	s3 =	rddreg [dreg:$0x2];
	[bflag:$0x3] =	sbarrier.arrive $0xFFFF;
	s2 =	simm.s32 @!p0 $0x1C05  }
0x42: {  	[timem:s3], [sflag:s2] =	dma.local @!p0 [hbm:s0], s1  }
0x43: {  	s0 =	simm.s32 @!p0 $0x5  }
0x44: {  	_ =	swait.ge @!p0 [sflag:s0], s1  }
0x45: {  	s1 =	ssub.s32 @!p0 $0x0, s1;
	[sflag:s0] =	ssyncset.done @!p0 $0x0  }
0x46: {  	[sflag:s0] =	ssyncadd.s32 @!p0 s1  }
0x47: {  	[bflag:$0x3] =	sbarrier.arrive $0xFFFF  }
0x48: {  	_ =	shalt  }

</sc_bundles>
